<compile_context>
chip_gen: v7x
topology: tpu7x:2x2x1
jax: 0.10.2.dev20260603
libtpu: 0.0.44.dev20260713+nightly
codegen_flags: <defaults>
</compile_context>

<pallas_src>
import functools

import jax
import jax.numpy as jnp
from jax import lax
from jax.experimental import pallas as pl
from jax.experimental.pallas import tpu as pltpu
from jax.experimental.pallas import tpu_sc as plsc

_B = 16384
_D = 128
_EPS = 1e-5
_CHUNK = 128
_NF = _D // 16


def _sc_gather_stats(table, idx2d):
    info = plsc.get_sparse_core_info()
    nc, ns = info.num_cores, info.num_subcores
    nw = nc * ns
    bpw = _B // nw
    chunks = bpw // _CHUNK

    mesh = plsc.VectorSubcoreMesh(core_axis_name="c", subcore_axis_name="s")

    @functools.partial(
        pl.kernel,
        mesh=mesh,
        out_type=(
            jax.ShapeDtypeStruct((_B, _D), jnp.float32),
            jax.ShapeDtypeStruct((2, nw, _D), jnp.float32),
        ),
        scratch_types=[
            pltpu.VMEM((chunks, _CHUNK), jnp.int32),
            pltpu.VMEM((bpw, _D), jnp.float32),
            pltpu.VMEM((2, _D), jnp.float32),
            pltpu.SemaphoreType.DMA,
            pltpu.SemaphoreType.DMA,
        ],
    )
    def gather_kernel(table_hbm, idx_hbm, out_hbm, part_hbm,
                      idx_v, rows_v, part_v, sem_in, sem_out):
        wid = lax.axis_index("s") * nc + lax.axis_index("c")
        base = wid * bpw
        pltpu.sync_copy(idx_hbm.at[pl.ds(wid * chunks, chunks)], idx_v)
        gathers = [
            pltpu.async_copy(
                table_hbm.at[idx_v.at[j]],
                rows_v.at[pl.ds(j * _CHUNK, _CHUNK)],
                sem_in,
            )
            for j in range(chunks)
        ]

        zeros = tuple(jnp.zeros((16,), jnp.float32) for _ in range(_NF))
        sums, sqs = zeros, zeros
        writes = []
        for j in range(chunks):
            gathers[j].wait()

            def row_body(r, carry):
                s, q = carry
                ns_, nq_ = [], []
                for f in range(_NF):
                    x = rows_v[r, pl.ds(f * 16, 16)]
                    ns_.append(s[f] + x)
                    nq_.append(q[f] + x * x)
                return (tuple(ns_), tuple(nq_))

            sums, sqs = lax.fori_loop(
                j * _CHUNK, (j + 1) * _CHUNK, row_body, (sums, sqs))
            writes.append(
                pltpu.async_copy(
                    rows_v.at[pl.ds(j * _CHUNK, _CHUNK)],
                    out_hbm.at[pl.ds(base + j * _CHUNK, _CHUNK)],
                    sem_out,
                )
            )

        for f in range(_NF):
            part_v[0, pl.ds(f * 16, 16)] = sums[f]
            part_v[1, pl.ds(f * 16, 16)] = sqs[f]
        pltpu.sync_copy(part_v.at[0], part_hbm.at[0, wid])
        pltpu.sync_copy(part_v.at[1], part_hbm.at[1, wid])
        for w in writes:
            w.wait()

    return gather_kernel(table, idx2d)


def _tc_affine(x, partials, gamma, beta, nw):
    steps = 2
    rows = _B // steps

    def body(part_ref, g_ref, b_ref, x_ref, o_ref):
        mean = jnp.sum(part_ref[0], axis=0) / _B
        ex2 = jnp.sum(part_ref[1], axis=0) / _B
        var = ex2 - mean * mean
        scale = g_ref[0] * lax.rsqrt(var + _EPS)
        bias = b_ref[0] - mean * scale
        o_ref[...] = x_ref[...] * scale + bias

    return pl.pallas_call(
        body,
        grid=(steps,),
        in_specs=[
            pl.BlockSpec((2, nw, _D), lambda i: (0, 0, 0)),
            pl.BlockSpec((1, _D), lambda i: (0, 0)),
            pl.BlockSpec((1, _D), lambda i: (0, 0)),
            pl.BlockSpec((rows, _D), lambda i: (i, 0)),
        ],
        out_specs=pl.BlockSpec((rows, _D), lambda i: (i, 0)),
        out_shape=jax.ShapeDtypeStruct((_B, _D), jnp.float32),
    )(partials, gamma.reshape(1, _D), beta.reshape(1, _D), x)


def kernel(nodes, table, gamma, beta):
    idx2d = nodes.astype(jnp.int32).reshape(_B // _CHUNK, _CHUNK)
    gathered, partials = _sc_gather_stats(table, idx2d)
    nw = partials.shape[1]
    return _tc_affine(gathered, partials, gamma, beta, nw)

# --- scband reference (transcript-rebuilt; emitter-appended) ---
"""Pipeline reference for scband-encoder-47897475285047 (READ-ONLY COPY).

The authoritative reference and input builder live on the scoring server;
editing this copy changes nothing except your own understanding.
"""

import jax, jax.numpy as jnp
import numpy as np

NUM_ENT = 100000
HIDDEN_DIM = 128
BATCH = 16384
EPS = 1e-5

def setup_inputs(seed: int = 0) -> dict:
    key = jax.random.key(seed)
    k1, k2 = jax.random.split(key)
    nodes = jax.random.randint(k1, (BATCH,), 0, NUM_ENT, dtype=jnp.int64 if jax.config.jax_enable_x64 else jnp.int32)
    r = 6.0 / np.sqrt(HIDDEN_DIM)
    table = jax.random.uniform(k2, (NUM_ENT, HIDDEN_DIM), dtype=jnp.float32, minval=-r, maxval=r)
    # renorm rows to maxnorm=1 (p=2), matching torch renorm_
    norms = jnp.linalg.norm(table, axis=1, keepdims=True)
    scale = jnp.minimum(1.0, 1.0 / jnp.maximum(norms, 1e-12))
    table = table * scale
    gamma = jnp.ones((HIDDEN_DIM,), dtype=jnp.float32)
    beta = jnp.zeros((HIDDEN_DIM,), dtype=jnp.float32)
    return {"nodes": nodes, "table": table, "gamma": gamma, "beta": beta}

def reference(nodes, table, gamma, beta):
    # embedding lookup
    embs = jnp.take(table, nodes, axis=0)
    # BatchNorm1d in training mode: batch statistics, biased variance
    mean = jnp.mean(embs, axis=0)
    var = jnp.mean((embs - mean) ** 2, axis=0)
    normed = (embs - mean) / jnp.sqrt(var + EPS)
    out = normed * gamma + beta
    return out

if __name__ == "__main__":
    import jax
    _d = setup_inputs()
    print(jax.jit(kernel)(*tuple(_d.values())))

</pallas_src>

<mosaic_0001>
#map = affine_map<(d0, d1) -> (0, 0)>
#map1 = affine_map<(d0, d1) -> (0, 0, 0)>
module attributes {stable_mosaic.version = 14 : i64} {
  func.func @gather_kernel(%arg0: i32, %arg1: i32, %arg2: memref<100000x128xf32, #tpu.memory_space<hbm>>, %arg3: memref<128x128xi32, #tpu.memory_space<hbm>>, %arg4: memref<16384x128xf32, #tpu.memory_space<hbm>>, %arg5: memref<2x32x128xf32, #tpu.memory_space<hbm>>, %arg6: memref<4x128xi32, #tpu.memory_space<vmem>>, %arg7: memref<512x128xf32, #tpu.memory_space<vmem>>, %arg8: memref<2x128xf32, #tpu.memory_space<vmem>>, %arg9: memref<!tpu.dma_semaphore, #tpu.memory_space<semaphore_mem>>, %arg10: memref<!tpu.dma_semaphore, #tpu.memory_space<semaphore_mem>>) attributes {dimension_semantics = [#tpu.dimension_semantics<core_parallel>, #tpu.dimension_semantics<subcore_parallel>], iteration_bounds = array<i64: 2, 16>, scalar_prefetch = 0 : i64, scratch_operands = 5 : i64, tpu.core_type = #tpu.core_type<sc_vector_subcore>, window_params = [{transform_indices = #map}, {transform_indices = #map}, {transform_indices = #map}, {transform_indices = #map1}]} {
    %mul3A = arith.constant 2 : i32
    %mul3A_0 = arith.muli %arg1, %mul3A : i32
    %add3A = arith.addi %mul3A_0, %arg0 : i32
    %mul3A_1 = arith.constant 512 : i32
    %mul3A_2 = arith.muli %add3A, %mul3A_1 : i32
    %mul3A_3 = arith.constant 4 : i32
    %mul3A_4 = arith.muli %add3A, %mul3A_3 : i32
    "tpu.region"() ({
      %run_scoped3A_307 = tpu.sem_alloc : memref<!tpu.dma_semaphore, #tpu.memory_space<semaphore_mem>>
      %dma_start3A_308 = arith.constant 0 : i32
      %dma_start3A_309 = tpu.memref_slice %arg3[%mul3A_4, %dma_start3A_308] : memref<128x128xi32, #tpu.memory_space<hbm>> -> memref<4x128xi32, #tpu.memory_space<hbm>>
      %dma_start3A_310 = arith.constant 0 : i32
      %dma_start3A_311 = tpu.memref_slice %arg3[%mul3A_4, %dma_start3A_310] : memref<128x128xi32, #tpu.memory_space<hbm>> -> memref<4x128xi32, #tpu.memory_space<hbm>>
      tpu.enqueue_dma source(%dma_start3A_311 : memref<4x128xi32, #tpu.memory_space<hbm>>) target(%arg6 : memref<4x128xi32, #tpu.memory_space<vmem>>) target_semaphore(%run_scoped3A_307 : memref<!tpu.dma_semaphore, #tpu.memory_space<semaphore_mem>>)
      %dma_wait3A_312 = arith.constant 0 : i32
      %dma_wait3A_313 = tpu.memref_slice %arg3[%mul3A_4, %dma_wait3A_312] : memref<128x128xi32, #tpu.memory_space<hbm>> -> memref<4x128xi32, #tpu.memory_space<hbm>>
      %dma_wait3A_314 = arith.constant 0 : i32
      %dma_wait3A_315 = tpu.memref_slice %arg3[%mul3A_4, %dma_wait3A_314] : memref<128x128xi32, #tpu.memory_space<hbm>> -> memref<4x128xi32, #tpu.memory_space<hbm>>
      tpu.wait_dma2 semaphore(%run_scoped3A_307 : memref<!tpu.dma_semaphore, #tpu.memory_space<semaphore_mem>>) src(%dma_wait3A_315 : memref<4x128xi32, #tpu.memory_space<hbm>>) dst(%arg6 : memref<4x128xi32, #tpu.memory_space<vmem>>)
      tpu.yield
    }) : () -> ()
    %dma_start3A = arith.constant 0 : i32
    %dma_start3A_5 = arith.constant 0 : i32
    %dma_start3A_6 = arith.constant 0 : i32
    %dma_start3A_7 = tpu.memref_slice %arg7[%dma_start3A_5, %dma_start3A_6] : memref<512x128xf32, #tpu.memory_space<vmem>> -> memref<128x128xf32, #tpu.memory_space<vmem>>
    %dma_start3A_8 = arith.constant 0 : i32
    %dma_start3A_9 = tpu.memref_slice %arg6[%dma_start3A, %dma_start3A_8] : memref<4x128xi32, #tpu.memory_space<vmem>> -> memref<1x128xi32, #tpu.memory_space<vmem>>
    %dma_start3A_10 = tpu.memref_squeeze %dma_start3A_9 : memref<1x128xi32, #tpu.memory_space<vmem>> -> memref<128xi32, #tpu.memory_space<vmem>>
    %dma_start3A_11 = arith.constant 0 : i32
    %dma_start3A_12 = arith.constant 0 : i32
    %dma_start3A_13 = tpu.memref_slice %arg2[%dma_start3A_11, %dma_start3A_12] : memref<100000x128xf32, #tpu.memory_space<hbm>> -> memref<100000x128xf32, #tpu.memory_space<hbm>>
    tpu.enqueue_indirect_dma source(%dma_start3A_13 : memref<100000x128xf32, #tpu.memory_space<hbm>>) target(%dma_start3A_7 : memref<128x128xf32, #tpu.memory_space<vmem>>) offsets(%dma_start3A_10 : memref<128xi32, #tpu.memory_space<vmem>>) semaphore(%arg9 : memref<!tpu.dma_semaphore, #tpu.memory_space<semaphore_mem>>)
    %dma_start3A_14 = arith.constant 1 : i32
    %dma_start3A_15 = arith.constant 128 : i32
    %dma_start3A_16 = arith.constant 0 : i32
    %dma_start3A_17 = tpu.memref_slice %arg7[%dma_start3A_15, %dma_start3A_16] : memref<512x128xf32, #tpu.memory_space<vmem>> -> memref<128x128xf32, #tpu.memory_space<vmem>>
    %dma_start3A_18 = arith.constant 0 : i32
    %dma_start3A_19 = tpu.memref_slice %arg6[%dma_start3A_14, %dma_start3A_18] : memref<4x128xi32, #tpu.memory_space<vmem>> -> memref<1x128xi32, #tpu.memory_space<vmem>>
    %dma_start3A_20 = tpu.memref_squeeze %dma_start3A_19 : memref<1x128xi32, #tpu.memory_space<vmem>> -> memref<128xi32, #tpu.memory_space<vmem>>
    %dma_start3A_21 = arith.constant 0 : i32
    %dma_start3A_22 = arith.constant 0 : i32
    %dma_start3A_23 = tpu.memref_slice %arg2[%dma_start3A_21, %dma_start3A_22] : memref<100000x128xf32, #tpu.memory_space<hbm>> -> memref<100000x128xf32, #tpu.memory_space<hbm>>
    tpu.enqueue_indirect_dma source(%dma_start3A_23 : memref<100000x128xf32, #tpu.memory_space<hbm>>) target(%dma_start3A_17 : memref<128x128xf32, #tpu.memory_space<vmem>>) offsets(%dma_start3A_20 : memref<128xi32, #tpu.memory_space<vmem>>) semaphore(%arg9 : memref<!tpu.dma_semaphore, #tpu.memory_space<semaphore_mem>>)
    %dma_start3A_24 = arith.constant 2 : i32
    %dma_start3A_25 = arith.constant 256 : i32
    %dma_start3A_26 = arith.constant 0 : i32
    %dma_start3A_27 = tpu.memref_slice %arg7[%dma_start3A_25, %dma_start3A_26] : memref<512x128xf32, #tpu.memory_space<vmem>> -> memref<128x128xf32, #tpu.memory_space<vmem>>
    %dma_start3A_28 = arith.constant 0 : i32
    %dma_start3A_29 = tpu.memref_slice %arg6[%dma_start3A_24, %dma_start3A_28] : memref<4x128xi32, #tpu.memory_space<vmem>> -> memref<1x128xi32, #tpu.memory_space<vmem>>
    %dma_start3A_30 = tpu.memref_squeeze %dma_start3A_29 : memref<1x128xi32, #tpu.memory_space<vmem>> -> memref<128xi32, #tpu.memory_space<vmem>>
    %dma_start3A_31 = arith.constant 0 : i32
    %dma_start3A_32 = arith.constant 0 : i32
    %dma_start3A_33 = tpu.memref_slice %arg2[%dma_start3A_31, %dma_start3A_32] : memref<100000x128xf32, #tpu.memory_space<hbm>> -> memref<100000x128xf32, #tpu.memory_space<hbm>>
    tpu.enqueue_indirect_dma source(%dma_start3A_33 : memref<100000x128xf32, #tpu.memory_space<hbm>>) target(%dma_start3A_27 : memref<128x128xf32, #tpu.memory_space<vmem>>) offsets(%dma_start3A_30 : memref<128xi32, #tpu.memory_space<vmem>>) semaphore(%arg9 : memref<!tpu.dma_semaphore, #tpu.memory_space<semaphore_mem>>)
    %dma_start3A_34 = arith.constant 3 : i32
    %dma_start3A_35 = arith.constant 384 : i32
    %dma_start3A_36 = arith.constant 0 : i32
    %dma_start3A_37 = tpu.memref_slice %arg7[%dma_start3A_35, %dma_start3A_36] : memref<512x128xf32, #tpu.memory_space<vmem>> -> memref<128x128xf32, #tpu.memory_space<vmem>>
    %dma_start3A_38 = arith.constant 0 : i32
    %dma_start3A_39 = tpu.memref_slice %arg6[%dma_start3A_34, %dma_start3A_38] : memref<4x128xi32, #tpu.memory_space<vmem>> -> memref<1x128xi32, #tpu.memory_space<vmem>>
    %dma_start3A_40 = tpu.memref_squeeze %dma_start3A_39 : memref<1x128xi32, #tpu.memory_space<vmem>> -> memref<128xi32, #tpu.memory_space<vmem>>
    %dma_start3A_41 = arith.constant 0 : i32
    %dma_start3A_42 = arith.constant 0 : i32
    %dma_start3A_43 = tpu.memref_slice %arg2[%dma_start3A_41, %dma_start3A_42] : memref<100000x128xf32, #tpu.memory_space<hbm>> -> memref<100000x128xf32, #tpu.memory_space<hbm>>
    tpu.enqueue_indirect_dma source(%dma_start3A_43 : memref<100000x128xf32, #tpu.memory_space<hbm>>) target(%dma_start3A_37 : memref<128x128xf32, #tpu.memory_space<vmem>>) offsets(%dma_start3A_40 : memref<128xi32, #tpu.memory_space<vmem>>) semaphore(%arg9 : memref<!tpu.dma_semaphore, #tpu.memory_space<semaphore_mem>>)
    %broadcast_in_dim3A = arith.constant 0.000000e+00 : f32
    %broadcast_in_dim3A_44 = vector.broadcast %broadcast_in_dim3A : f32 to vector<16xf32>
    %broadcast_in_dim3A_45 = arith.constant 0.000000e+00 : f32
    %broadcast_in_dim3A_46 = vector.broadcast %broadcast_in_dim3A_45 : f32 to vector<16xf32>
    %broadcast_in_dim3A_47 = arith.constant 0.000000e+00 : f32
    %broadcast_in_dim3A_48 = vector.broadcast %broadcast_in_dim3A_47 : f32 to vector<16xf32>
    %broadcast_in_dim3A_49 = arith.constant 0.000000e+00 : f32
    %broadcast_in_dim3A_50 = vector.broadcast %broadcast_in_dim3A_49 : f32 to vector<16xf32>
    %broadcast_in_dim3A_51 = arith.constant 0.000000e+00 : f32
    %broadcast_in_dim3A_52 = vector.broadcast %broadcast_in_dim3A_51 : f32 to vector<16xf32>
    %broadcast_in_dim3A_53 = arith.constant 0.000000e+00 : f32
    %broadcast_in_dim3A_54 = vector.broadcast %broadcast_in_dim3A_53 : f32 to vector<16xf32>
    %broadcast_in_dim3A_55 = arith.constant 0.000000e+00 : f32
    %broadcast_in_dim3A_56 = vector.broadcast %broadcast_in_dim3A_55 : f32 to vector<16xf32>
    %broadcast_in_dim3A_57 = arith.constant 0.000000e+00 : f32
    %broadcast_in_dim3A_58 = vector.broadcast %broadcast_in_dim3A_57 : f32 to vector<16xf32>
    %dma_wait3A = arith.constant 0 : i32
    %dma_wait3A_59 = arith.constant 0 : i32
    %dma_wait3A_60 = arith.constant 0 : i32
    %dma_wait3A_61 = tpu.memref_slice %arg7[%dma_wait3A_59, %dma_wait3A_60] : memref<512x128xf32, #tpu.memory_space<vmem>> -> memref<128x128xf32, #tpu.memory_space<vmem>>
    %dma_wait3A_62 = arith.constant 0 : i32
    %dma_wait3A_63 = tpu.memref_slice %arg6[%dma_wait3A, %dma_wait3A_62] : memref<4x128xi32, #tpu.memory_space<vmem>> -> memref<1x128xi32, #tpu.memory_space<vmem>>
    %dma_wait3A_64 = tpu.memref_squeeze %dma_wait3A_63 : memref<1x128xi32, #tpu.memory_space<vmem>> -> memref<128xi32, #tpu.memory_space<vmem>>
    %dma_wait3A_65 = arith.constant 0 : i32
    %dma_wait3A_66 = arith.constant 0 : i32
    %dma_wait3A_67 = tpu.memref_slice %arg2[%dma_wait3A_65, %dma_wait3A_66] : memref<100000x128xf32, #tpu.memory_space<hbm>> -> memref<100000x128xf32, #tpu.memory_space<hbm>>
    tpu.wait_indirect_dma semaphore(%arg9 : memref<!tpu.dma_semaphore, #tpu.memory_space<semaphore_mem>>) src(%dma_wait3A_67 : memref<100000x128xf32, #tpu.memory_space<hbm>>) dst(%dma_wait3A_61 : memref<128x128xf32, #tpu.memory_space<vmem>>)
    %scan3A = arith.constant 0 : i32
    %scan3A_68 = arith.constant 128 : i32
    %scan3A_69 = arith.addi %scan3A, %scan3A_68 : i32
    %scan3A_70 = arith.constant 1 : i32
    %scan3A_71:16 = scf.for %scan3A_307 = %scan3A to %scan3A_69 step %scan3A_70 iter_args(%scan3A_308 = %broadcast_in_dim3A_44, %scan3A_309 = %broadcast_in_dim3A_46, %scan3A_310 = %broadcast_in_dim3A_48, %scan3A_311 = %broadcast_in_dim3A_50, %scan3A_312 = %broadcast_in_dim3A_52, %scan3A_313 = %broadcast_in_dim3A_54, %scan3A_314 = %broadcast_in_dim3A_56, %scan3A_315 = %broadcast_in_dim3A_58, %scan3A_316 = %broadcast_in_dim3A_44, %scan3A_317 = %broadcast_in_dim3A_46, %scan3A_318 = %broadcast_in_dim3A_48, %scan3A_319 = %broadcast_in_dim3A_50, %scan3A_320 = %broadcast_in_dim3A_52, %scan3A_321 = %broadcast_in_dim3A_54, %scan3A_322 = %broadcast_in_dim3A_56, %scan3A_323 = %broadcast_in_dim3A_58) -> (vector<16xf32>, vector<16xf32>, vector<16xf32>, vector<16xf32>, vector<16xf32>, vector<16xf32>, vector<16xf32>, vector<16xf32>, vector<16xf32>, vector<16xf32>, vector<16xf32>, vector<16xf32>, vector<16xf32>, vector<16xf32>, vector<16xf32>, vector<16xf32>)  : i32 {
      %get3A = arith.index_cast %scan3A_307 : i32 to index
      %get3A_324 = arith.constant 0 : index
      %get3A_325 = tpu.vector_load %arg7[%get3A, %get3A_324] {strides = array<i32>} : memref<512x128xf32, #tpu.memory_space<vmem>>, vector<1x16xf32>,
      %get3A_326 = vector.shape_cast %get3A_325 : vector<1x16xf32> to vector<16xf32>
      %add3A_327 = arith.addf %scan3A_308, %get3A_326 : vector<16xf32>
      %mul3A_328 = arith.mulf %get3A_326, %get3A_326 : vector<16xf32>
      %add3A_329 = arith.addf %scan3A_316, %mul3A_328 : vector<16xf32>
      %get3A_330 = arith.index_cast %scan3A_307 : i32 to index
      %get3A_331 = arith.constant 16 : index
      %get3A_332 = tpu.vector_load %arg7[%get3A_330, %get3A_331] {strides = array<i32>} : memref<512x128xf32, #tpu.memory_space<vmem>>, vector<1x16xf32>,
      %get3A_333 = vector.shape_cast %get3A_332 : vector<1x16xf32> to vector<16xf32>
      %add3A_334 = arith.addf %scan3A_309, %get3A_333 : vector<16xf32>
      %mul3A_335 = arith.mulf %get3A_333, %get3A_333 : vector<16xf32>
      %add3A_336 = arith.addf %scan3A_317, %mul3A_335 : vector<16xf32>
      %get3A_337 = arith.index_cast %scan3A_307 : i32 to index
      %get3A_338 = arith.constant 32 : index
      %get3A_339 = tpu.vector_load %arg7[%get3A_337, %get3A_338] {strides = array<i32>} : memref<512x128xf32, #tpu.memory_space<vmem>>, vector<1x16xf32>,
      %get3A_340 = vector.shape_cast %get3A_339 : vector<1x16xf32> to vector<16xf32>
      %add3A_341 = arith.addf %scan3A_310, %get3A_340 : vector<16xf32>
      %mul3A_342 = arith.mulf %get3A_340, %get3A_340 : vector<16xf32>
      %add3A_343 = arith.addf %scan3A_318, %mul3A_342 : vector<16xf32>
      %get3A_344 = arith.index_cast %scan3A_307 : i32 to index
      %get3A_345 = arith.constant 48 : index
      %get3A_346 = tpu.vector_load %arg7[%get3A_344, %get3A_345] {strides = array<i32>} : memref<512x128xf32, #tpu.memory_space<vmem>>, vector<1x16xf32>,
      %get3A_347 = vector.shape_cast %get3A_346 : vector<1x16xf32> to vector<16xf32>
      %add3A_348 = arith.addf %scan3A_311, %get3A_347 : vector<16xf32>
      %mul3A_349 = arith.mulf %get3A_347, %get3A_347 : vector<16xf32>
      %add3A_350 = arith.addf %scan3A_319, %mul3A_349 : vector<16xf32>
      %get3A_351 = arith.index_cast %scan3A_307 : i32 to index
      %get3A_352 = arith.constant 64 : index
      %get3A_353 = tpu.vector_load %arg7[%get3A_351, %get3A_352] {strides = array<i32>} : memref<512x128xf32, #tpu.memory_space<vmem>>, vector<1x16xf32>,
      %get3A_354 = vector.shape_cast %get3A_353 : vector<1x16xf32> to vector<16xf32>
      %add3A_355 = arith.addf %scan3A_312, %get3A_354 : vector<16xf32>
      %mul3A_356 = arith.mulf %get3A_354, %get3A_354 : vector<16xf32>
      %add3A_357 = arith.addf %scan3A_320, %mul3A_356 : vector<16xf32>
      %get3A_358 = arith.index_cast %scan3A_307 : i32 to index
      %get3A_359 = arith.constant 80 : index
      %get3A_360 = tpu.vector_load %arg7[%get3A_358, %get3A_359] {strides = array<i32>} : memref<512x128xf32, #tpu.memory_space<vmem>>, vector<1x16xf32>,
      %get3A_361 = vector.shape_cast %get3A_360 : vector<1x16xf32> to vector<16xf32>
      %add3A_362 = arith.addf %scan3A_313, %get3A_361 : vector<16xf32>
      %mul3A_363 = arith.mulf %get3A_361, %get3A_361 : vector<16xf32>
      %add3A_364 = arith.addf %scan3A_321, %mul3A_363 : vector<16xf32>
      %get3A_365 = arith.index_cast %scan3A_307 : i32 to index
      %get3A_366 = arith.constant 96 : index
      %get3A_367 = tpu.vector_load %arg7[%get3A_365, %get3A_366] {strides = array<i32>} : memref<512x128xf32, #tpu.memory_space<vmem>>, vector<1x16xf32>,
      %get3A_368 = vector.shape_cast %get3A_367 : vector<1x16xf32> to vector<16xf32>
      %add3A_369 = arith.addf %scan3A_314, %get3A_368 : vector<16xf32>
      %mul3A_370 = arith.mulf %get3A_368, %get3A_368 : vector<16xf32>
      %add3A_371 = arith.addf %scan3A_322, %mul3A_370 : vector<16xf32>
      %get3A_372 = arith.index_cast %scan3A_307 : i32 to index
      %get3A_373 = arith.constant 112 : index
      %get3A_374 = tpu.vector_load %arg7[%get3A_372, %get3A_373] {strides = array<i32>} : memref<512x128xf32, #tpu.memory_space<vmem>>, vector<1x16xf32>,
      %get3A_375 = vector.shape_cast %get3A_374 : vector<1x16xf32> to vector<16xf32>
      %add3A_376 = arith.addf %scan3A_315, %get3A_375 : vector<16xf32>
      %mul3A_377 = arith.mulf %get3A_375, %get3A_375 : vector<16xf32>
      %add3A_378 = arith.addf %scan3A_323, %mul3A_377 : vector<16xf32>
      scf.yield %add3A_327, %add3A_334, %add3A_341, %add3A_348, %add3A_355, %add3A_362, %add3A_369, %add3A_376, %add3A_329, %add3A_336, %add3A_343, %add3A_350, %add3A_357, %add3A_364, %add3A_371, %add3A_378 : vector<16xf32>, vector<16xf32>, vector<16xf32>, vector<16xf32>, vector<16xf32>, vector<16xf32>, vector<16xf32>, vector<16xf32>, vector<16xf32>, vector<16xf32>, vector<16xf32>, vector<16xf32>, vector<16xf32>, vector<16xf32>, vector<16xf32>, vector<16xf32>
    }
    %scan3A_72 = arith.constant 128 : i32
    %add3A_73 = arith.constant 0 : i32
    %add3A_74 = arith.addi %mul3A_2, %add3A_73 : i32
    %dma_start3A_75 = arith.constant 0 : i32
    %dma_start3A_76 = arith.constant 0 : i32
    %dma_start3A_77 = tpu.memref_slice %arg7[%dma_start3A_75, %dma_start3A_76] : memref<512x128xf32, #tpu.memory_space<vmem>> -> memref<128x128xf32, #tpu.memory_space<vmem>>
    %dma_start3A_78 = arith.constant 0 : i32
    %dma_start3A_79 = tpu.memref_slice %arg4[%add3A_74, %dma_start3A_78] : memref<16384x128xf32, #tpu.memory_space<hbm>> -> memref<128x128xf32, #tpu.memory_space<hbm>>
    %dma_start3A_80 = arith.constant 0 : i32
    %dma_start3A_81 = tpu.memref_slice %arg4[%add3A_74, %dma_start3A_80] : memref<16384x128xf32, #tpu.memory_space<hbm>> -> memref<128x128xf32, #tpu.memory_space<hbm>>
    %dma_start3A_82 = arith.constant 0 : i32
    %dma_start3A_83 = arith.constant 0 : i32
    %dma_start3A_84 = tpu.memref_slice %arg7[%dma_start3A_82, %dma_start3A_83] : memref<512x128xf32, #tpu.memory_space<vmem>> -> memref<128x128xf32, #tpu.memory_space<vmem>>
    tpu.enqueue_dma source(%dma_start3A_84 : memref<128x128xf32, #tpu.memory_space<vmem>>) target(%dma_start3A_81 : memref<128x128xf32, #tpu.memory_space<hbm>>) target_semaphore(%arg10 : memref<!tpu.dma_semaphore, #tpu.memory_space<semaphore_mem>>)
    %dma_wait3A_85 = arith.constant 1 : i32
    %dma_wait3A_86 = arith.constant 128 : i32
    %dma_wait3A_87 = arith.constant 0 : i32
    %dma_wait3A_88 = tpu.memref_slice %arg7[%dma_wait3A_86, %dma_wait3A_87] : memref<512x128xf32, #tpu.memory_space<vmem>> -> memref<128x128xf32, #tpu.memory_space<vmem>>
    %dma_wait3A_89 = arith.constant 0 : i32
    %dma_wait3A_90 = tpu.memref_slice %arg6[%dma_wait3A_85, %dma_wait3A_89] : memref<4x128xi32, #tpu.memory_space<vmem>> -> memref<1x128xi32, #tpu.memory_space<vmem>>
    %dma_wait3A_91 = tpu.memref_squeeze %dma_wait3A_90 : memref<1x128xi32, #tpu.memory_space<vmem>> -> memref<128xi32, #tpu.memory_space<vmem>>
    %dma_wait3A_92 = arith.constant 0 : i32
    %dma_wait3A_93 = arith.constant 0 : i32
    %dma_wait3A_94 = tpu.memref_slice %arg2[%dma_wait3A_92, %dma_wait3A_93] : memref<100000x128xf32, #tpu.memory_space<hbm>> -> memref<100000x128xf32, #tpu.memory_space<hbm>>
    tpu.wait_indirect_dma semaphore(%arg9 : memref<!tpu.dma_semaphore, #tpu.memory_space<semaphore_mem>>) src(%dma_wait3A_94 : memref<100000x128xf32, #tpu.memory_space<hbm>>) dst(%dma_wait3A_88 : memref<128x128xf32, #tpu.memory_space<vmem>>)
    %scan3A_95 = arith.constant 128 : i32
    %scan3A_96 = arith.constant 128 : i32
    %scan3A_97 = arith.addi %scan3A_95, %scan3A_96 : i32
    %scan3A_98 = arith.constant 1 : i32
    %scan3A_99:16 = scf.for %scan3A_307 = %scan3A_95 to %scan3A_97 step %scan3A_98 iter_args(%scan3A_308 = %scan3A_71#0, %scan3A_309 = %scan3A_71#1, %scan3A_310 = %scan3A_71#2, %scan3A_311 = %scan3A_71#3, %scan3A_312 = %scan3A_71#4, %scan3A_313 = %scan3A_71#5, %scan3A_314 = %scan3A_71#6, %scan3A_315 = %scan3A_71#7, %scan3A_316 = %scan3A_71#8, %scan3A_317 = %scan3A_71#9, %scan3A_318 = %scan3A_71#10, %scan3A_319 = %scan3A_71#11, %scan3A_320 = %scan3A_71#12, %scan3A_321 = %scan3A_71#13, %scan3A_322 = %scan3A_71#14, %scan3A_323 = %scan3A_71#15) -> (vector<16xf32>, vector<16xf32>, vector<16xf32>, vector<16xf32>, vector<16xf32>, vector<16xf32>, vector<16xf32>, vector<16xf32>, vector<16xf32>, vector<16xf32>, vector<16xf32>, vector<16xf32>, vector<16xf32>, vector<16xf32>, vector<16xf32>, vector<16xf32>)  : i32 {
      %get3A = arith.index_cast %scan3A_307 : i32 to index
      %get3A_324 = arith.constant 0 : index
      %get3A_325 = tpu.vector_load %arg7[%get3A, %get3A_324] {strides = array<i32>} : memref<512x128xf32, #tpu.memory_space<vmem>>, vector<1x16xf32>,
      %get3A_326 = vector.shape_cast %get3A_325 : vector<1x16xf32> to vector<16xf32>
      %add3A_327 = arith.addf %scan3A_308, %get3A_326 : vector<16xf32>
      %mul3A_328 = arith.mulf %get3A_326, %get3A_326 : vector<16xf32>
      %add3A_329 = arith.addf %scan3A_316, %mul3A_328 : vector<16xf32>
      %get3A_330 = arith.index_cast %scan3A_307 : i32 to index
      %get3A_331 = arith.constant 16 : index
      %get3A_332 = tpu.vector_load %arg7[%get3A_330, %get3A_331] {strides = array<i32>} : memref<512x128xf32, #tpu.memory_space<vmem>>, vector<1x16xf32>,
      %get3A_333 = vector.shape_cast %get3A_332 : vector<1x16xf32> to vector<16xf32>
      %add3A_334 = arith.addf %scan3A_309, %get3A_333 : vector<16xf32>
      %mul3A_335 = arith.mulf %get3A_333, %get3A_333 : vector<16xf32>
      %add3A_336 = arith.addf %scan3A_317, %mul3A_335 : vector<16xf32>
      %get3A_337 = arith.index_cast %scan3A_307 : i32 to index
      %get3A_338 = arith.constant 32 : index
      %get3A_339 = tpu.vector_load %arg7[%get3A_337, %get3A_338] {strides = array<i32>} : memref<512x128xf32, #tpu.memory_space<vmem>>, vector<1x16xf32>,
      %get3A_340 = vector.shape_cast %get3A_339 : vector<1x16xf32> to vector<16xf32>
      %add3A_341 = arith.addf %scan3A_310, %get3A_340 : vector<16xf32>
      %mul3A_342 = arith.mulf %get3A_340, %get3A_340 : vector<16xf32>
      %add3A_343 = arith.addf %scan3A_318, %mul3A_342 : vector<16xf32>
      %get3A_344 = arith.index_cast %scan3A_307 : i32 to index
      %get3A_345 = arith.constant 48 : index
      %get3A_346 = tpu.vector_load %arg7[%get3A_344, %get3A_345] {strides = array<i32>} : memref<512x128xf32, #tpu.memory_space<vmem>>, vector<1x16xf32>,
      %get3A_347 = vector.shape_cast %get3A_346 : vector<1x16xf32> to vector<16xf32>
      %add3A_348 = arith.addf %scan3A_311, %get3A_347 : vector<16xf32>
      %mul3A_349 = arith.mulf %get3A_347, %get3A_347 : vector<16xf32>
      %add3A_350 = arith.addf %scan3A_319, %mul3A_349 : vector<16xf32>
      %get3A_351 = arith.index_cast %scan3A_307 : i32 to index
      %get3A_352 = arith.constant 64 : index
      %get3A_353 = tpu.vector_load %arg7[%get3A_351, %get3A_352] {strides = array<i32>} : memref<512x128xf32, #tpu.memory_space<vmem>>, vector<1x16xf32>,
      %get3A_354 = vector.shape_cast %get3A_353 : vector<1x16xf32> to vector<16xf32>
      %add3A_355 = arith.addf %scan3A_312, %get3A_354 : vector<16xf32>
      %mul3A_356 = arith.mulf %get3A_354, %get3A_354 : vector<16xf32>
      %add3A_357 = arith.addf %scan3A_320, %mul3A_356 : vector<16xf32>
      %get3A_358 = arith.index_cast %scan3A_307 : i32 to index
      %get3A_359 = arith.constant 80 : index
      %get3A_360 = tpu.vector_load %arg7[%get3A_358, %get3A_359] {strides = array<i32>} : memref<512x128xf32, #tpu.memory_space<vmem>>, vector<1x16xf32>,
      %get3A_361 = vector.shape_cast %get3A_360 : vector<1x16xf32> to vector<16xf32>
      %add3A_362 = arith.addf %scan3A_313, %get3A_361 : vector<16xf32>
      %mul3A_363 = arith.mulf %get3A_361, %get3A_361 : vector<16xf32>
      %add3A_364 = arith.addf %scan3A_321, %mul3A_363 : vector<16xf32>
      %get3A_365 = arith.index_cast %scan3A_307 : i32 to index
      %get3A_366 = arith.constant 96 : index
      %get3A_367 = tpu.vector_load %arg7[%get3A_365, %get3A_366] {strides = array<i32>} : memref<512x128xf32, #tpu.memory_space<vmem>>, vector<1x16xf32>,
      %get3A_368 = vector.shape_cast %get3A_367 : vector<1x16xf32> to vector<16xf32>
      %add3A_369 = arith.addf %scan3A_314, %get3A_368 : vector<16xf32>
      %mul3A_370 = arith.mulf %get3A_368, %get3A_368 : vector<16xf32>
      %add3A_371 = arith.addf %scan3A_322, %mul3A_370 : vector<16xf32>
      %get3A_372 = arith.index_cast %scan3A_307 : i32 to index
      %get3A_373 = arith.constant 112 : index
      %get3A_374 = tpu.vector_load %arg7[%get3A_372, %get3A_373] {strides = array<i32>} : memref<512x128xf32, #tpu.memory_space<vmem>>, vector<1x16xf32>,
      %get3A_375 = vector.shape_cast %get3A_374 : vector<1x16xf32> to vector<16xf32>
      %add3A_376 = arith.addf %scan3A_315, %get3A_375 : vector<16xf32>
      %mul3A_377 = arith.mulf %get3A_375, %get3A_375 : vector<16xf32>
      %add3A_378 = arith.addf %scan3A_323, %mul3A_377 : vector<16xf32>
      scf.yield %add3A_327, %add3A_334, %add3A_341, %add3A_348, %add3A_355, %add3A_362, %add3A_369, %add3A_376, %add3A_329, %add3A_336, %add3A_343, %add3A_350, %add3A_357, %add3A_364, %add3A_371, %add3A_378 : vector<16xf32>, vector<16xf32>, vector<16xf32>, vector<16xf32>, vector<16xf32>, vector<16xf32>, vector<16xf32>, vector<16xf32>, vector<16xf32>, vector<16xf32>, vector<16xf32>, vector<16xf32>, vector<16xf32>, vector<16xf32>, vector<16xf32>, vector<16xf32>
    }
    %scan3A_100 = arith.constant 128 : i32
    %add3A_101 = arith.constant 128 : i32
    %add3A_102 = arith.addi %mul3A_2, %add3A_101 : i32
    %dma_start3A_103 = arith.constant 128 : i32
    %dma_start3A_104 = arith.constant 0 : i32
    %dma_start3A_105 = tpu.memref_slice %arg7[%dma_start3A_103, %dma_start3A_104] : memref<512x128xf32, #tpu.memory_space<vmem>> -> memref<128x128xf32, #tpu.memory_space<vmem>>
    %dma_start3A_106 = arith.constant 0 : i32
    %dma_start3A_107 = tpu.memref_slice %arg4[%add3A_102, %dma_start3A_106] : memref<16384x128xf32, #tpu.memory_space<hbm>> -> memref<128x128xf32, #tpu.memory_space<hbm>>
    %dma_start3A_108 = arith.constant 0 : i32
    %dma_start3A_109 = tpu.memref_slice %arg4[%add3A_102, %dma_start3A_108] : memref<16384x128xf32, #tpu.memory_space<hbm>> -> memref<128x128xf32, #tpu.memory_space<hbm>>
    %dma_start3A_110 = arith.constant 128 : i32
    %dma_start3A_111 = arith.constant 0 : i32
    %dma_start3A_112 = tpu.memref_slice %arg7[%dma_start3A_110, %dma_start3A_111] : memref<512x128xf32, #tpu.memory_space<vmem>> -> memref<128x128xf32, #tpu.memory_space<vmem>>
    tpu.enqueue_dma source(%dma_start3A_112 : memref<128x128xf32, #tpu.memory_space<vmem>>) target(%dma_start3A_109 : memref<128x128xf32, #tpu.memory_space<hbm>>) target_semaphore(%arg10 : memref<!tpu.dma_semaphore, #tpu.memory_space<semaphore_mem>>)
    %dma_wait3A_113 = arith.constant 2 : i32
    %dma_wait3A_114 = arith.constant 256 : i32
    %dma_wait3A_115 = arith.constant 0 : i32
    %dma_wait3A_116 = tpu.memref_slice %arg7[%dma_wait3A_114, %dma_wait3A_115] : memref<512x128xf32, #tpu.memory_space<vmem>> -> memref<128x128xf32, #tpu.memory_space<vmem>>
    %dma_wait3A_117 = arith.constant 0 : i32
    %dma_wait3A_118 = tpu.memref_slice %arg6[%dma_wait3A_113, %dma_wait3A_117] : memref<4x128xi32, #tpu.memory_space<vmem>> -> memref<1x128xi32, #tpu.memory_space<vmem>>
    %dma_wait3A_119 = tpu.memref_squeeze %dma_wait3A_118 : memref<1x128xi32, #tpu.memory_space<vmem>> -> memref<128xi32, #tpu.memory_space<vmem>>
    %dma_wait3A_120 = arith.constant 0 : i32
    %dma_wait3A_121 = arith.constant 0 : i32
    %dma_wait3A_122 = tpu.memref_slice %arg2[%dma_wait3A_120, %dma_wait3A_121] : memref<100000x128xf32, #tpu.memory_space<hbm>> -> memref<100000x128xf32, #tpu.memory_space<hbm>>
    tpu.wait_indirect_dma semaphore(%arg9 : memref<!tpu.dma_semaphore, #tpu.memory_space<semaphore_mem>>) src(%dma_wait3A_122 : memref<100000x128xf32, #tpu.memory_space<hbm>>) dst(%dma_wait3A_116 : memref<128x128xf32, #tpu.memory_space<vmem>>)
    %scan3A_123 = arith.constant 256 : i32
    %scan3A_124 = arith.constant 128 : i32
    %scan3A_125 = arith.addi %scan3A_123, %scan3A_124 : i32
    %scan3A_126 = arith.constant 1 : i32
    %scan3A_127:16 = scf.for %scan3A_307 = %scan3A_123 to %scan3A_125 step %scan3A_126 iter_args(%scan3A_308 = %scan3A_99#0, %scan3A_309 = %scan3A_99#1, %scan3A_310 = %scan3A_99#2, %scan3A_311 = %scan3A_99#3, %scan3A_312 = %scan3A_99#4, %scan3A_313 = %scan3A_99#5, %scan3A_314 = %scan3A_99#6, %scan3A_315 = %scan3A_99#7, %scan3A_316 = %scan3A_99#8, %scan3A_317 = %scan3A_99#9, %scan3A_318 = %scan3A_99#10, %scan3A_319 = %scan3A_99#11, %scan3A_320 = %scan3A_99#12, %scan3A_321 = %scan3A_99#13, %scan3A_322 = %scan3A_99#14, %scan3A_323 = %scan3A_99#15) -> (vector<16xf32>, vector<16xf32>, vector<16xf32>, vector<16xf32>, vector<16xf32>, vector<16xf32>, vector<16xf32>, vector<16xf32>, vector<16xf32>, vector<16xf32>, vector<16xf32>, vector<16xf32>, vector<16xf32>, vector<16xf32>, vector<16xf32>, vector<16xf32>)  : i32 {
      %get3A = arith.index_cast %scan3A_307 : i32 to index
      %get3A_324 = arith.constant 0 : index
      %get3A_325 = tpu.vector_load %arg7[%get3A, %get3A_324] {strides = array<i32>} : memref<512x128xf32, #tpu.memory_space<vmem>>, vector<1x16xf32>,
      %get3A_326 = vector.shape_cast %get3A_325 : vector<1x16xf32> to vector<16xf32>
      %add3A_327 = arith.addf %scan3A_308, %get3A_326 : vector<16xf32>
      %mul3A_328 = arith.mulf %get3A_326, %get3A_326 : vector<16xf32>
      %add3A_329 = arith.addf %scan3A_316, %mul3A_328 : vector<16xf32>
      %get3A_330 = arith.index_cast %scan3A_307 : i32 to index
      %get3A_331 = arith.constant 16 : index
      %get3A_332 = tpu.vector_load %arg7[%get3A_330, %get3A_331] {strides = array<i32>} : memref<512x128xf32, #tpu.memory_space<vmem>>, vector<1x16xf32>,
      %get3A_333 = vector.shape_cast %get3A_332 : vector<1x16xf32> to vector<16xf32>
      %add3A_334 = arith.addf %scan3A_309, %get3A_333 : vector<16xf32>
      %mul3A_335 = arith.mulf %get3A_333, %get3A_333 : vector<16xf32>
      %add3A_336 = arith.addf %scan3A_317, %mul3A_335 : vector<16xf32>
      %get3A_337 = arith.index_cast %scan3A_307 : i32 to index
      %get3A_338 = arith.constant 32 : index
      %get3A_339 = tpu.vector_load %arg7[%get3A_337, %get3A_338] {strides = array<i32>} : memref<512x128xf32, #tpu.memory_space<vmem>>, vector<1x16xf32>,
      %get3A_340 = vector.shape_cast %get3A_339 : vector<1x16xf32> to vector<16xf32>
      %add3A_341 = arith.addf %scan3A_310, %get3A_340 : vector<16xf32>
      %mul3A_342 = arith.mulf %get3A_340, %get3A_340 : vector<16xf32>
      %add3A_343 = arith.addf %scan3A_318, %mul3A_342 : vector<16xf32>
      %get3A_344 = arith.index_cast %scan3A_307 : i32 to index
      %get3A_345 = arith.constant 48 : index
      %get3A_346 = tpu.vector_load %arg7[%get3A_344, %get3A_345] {strides = array<i32>} : memref<512x128xf32, #tpu.memory_space<vmem>>, vector<1x16xf32>,
      %get3A_347 = vector.shape_cast %get3A_346 : vector<1x16xf32> to vector<16xf32>
      %add3A_348 = arith.addf %scan3A_311, %get3A_347 : vector<16xf32>
      %mul3A_349 = arith.mulf %get3A_347, %get3A_347 : vector<16xf32>
      %add3A_350 = arith.addf %scan3A_319, %mul3A_349 : vector<16xf32>
      %get3A_351 = arith.index_cast %scan3A_307 : i32 to index
      %get3A_352 = arith.constant 64 : index
      %get3A_353 = tpu.vector_load %arg7[%get3A_351, %get3A_352] {strides = array<i32>} : memref<512x128xf32, #tpu.memory_space<vmem>>, vector<1x16xf32>,
      %get3A_354 = vector.shape_cast %get3A_353 : vector<1x16xf32> to vector<16xf32>
      %add3A_355 = arith.addf %scan3A_312, %get3A_354 : vector<16xf32>
      %mul3A_356 = arith.mulf %get3A_354, %get3A_354 : vector<16xf32>
      %add3A_357 = arith.addf %scan3A_320, %mul3A_356 : vector<16xf32>
      %get3A_358 = arith.index_cast %scan3A_307 : i32 to index
      %get3A_359 = arith.constant 80 : index
      %get3A_360 = tpu.vector_load %arg7[%get3A_358, %get3A_359] {strides = array<i32>} : memref<512x128xf32, #tpu.memory_space<vmem>>, vector<1x16xf32>,
      %get3A_361 = vector.shape_cast %get3A_360 : vector<1x16xf32> to vector<16xf32>
      %add3A_362 = arith.addf %scan3A_313, %get3A_361 : vector<16xf32>
      %mul3A_363 = arith.mulf %get3A_361, %get3A_361 : vector<16xf32>
      %add3A_364 = arith.addf %scan3A_321, %mul3A_363 : vector<16xf32>
      %get3A_365 = arith.index_cast %scan3A_307 : i32 to index
      %get3A_366 = arith.constant 96 : index
      %get3A_367 = tpu.vector_load %arg7[%get3A_365, %get3A_366] {strides = array<i32>} : memref<512x128xf32, #tpu.memory_space<vmem>>, vector<1x16xf32>,
      %get3A_368 = vector.shape_cast %get3A_367 : vector<1x16xf32> to vector<16xf32>
      %add3A_369 = arith.addf %scan3A_314, %get3A_368 : vector<16xf32>
      %mul3A_370 = arith.mulf %get3A_368, %get3A_368 : vector<16xf32>
      %add3A_371 = arith.addf %scan3A_322, %mul3A_370 : vector<16xf32>
      %get3A_372 = arith.index_cast %scan3A_307 : i32 to index
      %get3A_373 = arith.constant 112 : index
      %get3A_374 = tpu.vector_load %arg7[%get3A_372, %get3A_373] {strides = array<i32>} : memref<512x128xf32, #tpu.memory_space<vmem>>, vector<1x16xf32>,
      %get3A_375 = vector.shape_cast %get3A_374 : vector<1x16xf32> to vector<16xf32>
      %add3A_376 = arith.addf %scan3A_315, %get3A_375 : vector<16xf32>
      %mul3A_377 = arith.mulf %get3A_375, %get3A_375 : vector<16xf32>
      %add3A_378 = arith.addf %scan3A_323, %mul3A_377 : vector<16xf32>
      scf.yield %add3A_327, %add3A_334, %add3A_341, %add3A_348, %add3A_355, %add3A_362, %add3A_369, %add3A_376, %add3A_329, %add3A_336, %add3A_343, %add3A_350, %add3A_357, %add3A_364, %add3A_371, %add3A_378 : vector<16xf32>, vector<16xf32>, vector<16xf32>, vector<16xf32>, vector<16xf32>, vector<16xf32>, vector<16xf32>, vector<16xf32>, vector<16xf32>, vector<16xf32>, vector<16xf32>, vector<16xf32>, vector<16xf32>, vector<16xf32>, vector<16xf32>, vector<16xf32>
    }
    %scan3A_128 = arith.constant 128 : i32
    %add3A_129 = arith.constant 256 : i32
    %add3A_130 = arith.addi %mul3A_2, %add3A_129 : i32
    %dma_start3A_131 = arith.constant 256 : i32
    %dma_start3A_132 = arith.constant 0 : i32
    %dma_start3A_133 = tpu.memref_slice %arg7[%dma_start3A_131, %dma_start3A_132] : memref<512x128xf32, #tpu.memory_space<vmem>> -> memref<128x128xf32, #tpu.memory_space<vmem>>
    %dma_start3A_134 = arith.constant 0 : i32
    %dma_start3A_135 = tpu.memref_slice %arg4[%add3A_130, %dma_start3A_134] : memref<16384x128xf32, #tpu.memory_space<hbm>> -> memref<128x128xf32, #tpu.memory_space<hbm>>
    %dma_start3A_136 = arith.constant 0 : i32
    %dma_start3A_137 = tpu.memref_slice %arg4[%add3A_130, %dma_start3A_136] : memref<16384x128xf32, #tpu.memory_space<hbm>> -> memref<128x128xf32, #tpu.memory_space<hbm>>
    %dma_start3A_138 = arith.constant 256 : i32
    %dma_start3A_139 = arith.constant 0 : i32
    %dma_start3A_140 = tpu.memref_slice %arg7[%dma_start3A_138, %dma_start3A_139] : memref<512x128xf32, #tpu.memory_space<vmem>> -> memref<128x128xf32, #tpu.memory_space<vmem>>
    tpu.enqueue_dma source(%dma_start3A_140 : memref<128x128xf32, #tpu.memory_space<vmem>>) target(%dma_start3A_137 : memref<128x128xf32, #tpu.memory_space<hbm>>) target_semaphore(%arg10 : memref<!tpu.dma_semaphore, #tpu.memory_space<semaphore_mem>>)
    %dma_wait3A_141 = arith.constant 3 : i32
    %dma_wait3A_142 = arith.constant 384 : i32
    %dma_wait3A_143 = arith.constant 0 : i32
    %dma_wait3A_144 = tpu.memref_slice %arg7[%dma_wait3A_142, %dma_wait3A_143] : memref<512x128xf32, #tpu.memory_space<vmem>> -> memref<128x128xf32, #tpu.memory_space<vmem>>
    %dma_wait3A_145 = arith.constant 0 : i32
    %dma_wait3A_146 = tpu.memref_slice %arg6[%dma_wait3A_141, %dma_wait3A_145] : memref<4x128xi32, #tpu.memory_space<vmem>> -> memref<1x128xi32, #tpu.memory_space<vmem>>
    %dma_wait3A_147 = tpu.memref_squeeze %dma_wait3A_146 : memref<1x128xi32, #tpu.memory_space<vmem>> -> memref<128xi32, #tpu.memory_space<vmem>>
    %dma_wait3A_148 = arith.constant 0 : i32
    %dma_wait3A_149 = arith.constant 0 : i32
    %dma_wait3A_150 = tpu.memref_slice %arg2[%dma_wait3A_148, %dma_wait3A_149] : memref<100000x128xf32, #tpu.memory_space<hbm>> -> memref<100000x128xf32, #tpu.memory_space<hbm>>
    tpu.wait_indirect_dma semaphore(%arg9 : memref<!tpu.dma_semaphore, #tpu.memory_space<semaphore_mem>>) src(%dma_wait3A_150 : memref<100000x128xf32, #tpu.memory_space<hbm>>) dst(%dma_wait3A_144 : memref<128x128xf32, #tpu.memory_space<vmem>>)
    %scan3A_151 = arith.constant 384 : i32
    %scan3A_152 = arith.constant 128 : i32
    %scan3A_153 = arith.addi %scan3A_151, %scan3A_152 : i32
    %scan3A_154 = arith.constant 1 : i32
    %scan3A_155:16 = scf.for %scan3A_307 = %scan3A_151 to %scan3A_153 step %scan3A_154 iter_args(%scan3A_308 = %scan3A_127#0, %scan3A_309 = %scan3A_127#1, %scan3A_310 = %scan3A_127#2, %scan3A_311 = %scan3A_127#3, %scan3A_312 = %scan3A_127#4, %scan3A_313 = %scan3A_127#5, %scan3A_314 = %scan3A_127#6, %scan3A_315 = %scan3A_127#7, %scan3A_316 = %scan3A_127#8, %scan3A_317 = %scan3A_127#9, %scan3A_318 = %scan3A_127#10, %scan3A_319 = %scan3A_127#11, %scan3A_320 = %scan3A_127#12, %scan3A_321 = %scan3A_127#13, %scan3A_322 = %scan3A_127#14, %scan3A_323 = %scan3A_127#15) -> (vector<16xf32>, vector<16xf32>, vector<16xf32>, vector<16xf32>, vector<16xf32>, vector<16xf32>, vector<16xf32>, vector<16xf32>, vector<16xf32>, vector<16xf32>, vector<16xf32>, vector<16xf32>, vector<16xf32>, vector<16xf32>, vector<16xf32>, vector<16xf32>)  : i32 {
      %get3A = arith.index_cast %scan3A_307 : i32 to index
      %get3A_324 = arith.constant 0 : index
      %get3A_325 = tpu.vector_load %arg7[%get3A, %get3A_324] {strides = array<i32>} : memref<512x128xf32, #tpu.memory_space<vmem>>, vector<1x16xf32>,
      %get3A_326 = vector.shape_cast %get3A_325 : vector<1x16xf32> to vector<16xf32>
      %add3A_327 = arith.addf %scan3A_308, %get3A_326 : vector<16xf32>
      %mul3A_328 = arith.mulf %get3A_326, %get3A_326 : vector<16xf32>
      %add3A_329 = arith.addf %scan3A_316, %mul3A_328 : vector<16xf32>
      %get3A_330 = arith.index_cast %scan3A_307 : i32 to index
      %get3A_331 = arith.constant 16 : index
      %get3A_332 = tpu.vector_load %arg7[%get3A_330, %get3A_331] {strides = array<i32>} : memref<512x128xf32, #tpu.memory_space<vmem>>, vector<1x16xf32>,
      %get3A_333 = vector.shape_cast %get3A_332 : vector<1x16xf32> to vector<16xf32>
      %add3A_334 = arith.addf %scan3A_309, %get3A_333 : vector<16xf32>
      %mul3A_335 = arith.mulf %get3A_333, %get3A_333 : vector<16xf32>
      %add3A_336 = arith.addf %scan3A_317, %mul3A_335 : vector<16xf32>
      %get3A_337 = arith.index_cast %scan3A_307 : i32 to index
      %get3A_338 = arith.constant 32 : index
      %get3A_339 = tpu.vector_load %arg7[%get3A_337, %get3A_338] {strides = array<i32>} : memref<512x128xf32, #tpu.memory_space<vmem>>, vector<1x16xf32>,
      %get3A_340 = vector.shape_cast %get3A_339 : vector<1x16xf32> to vector<16xf32>
      %add3A_341 = arith.addf %scan3A_310, %get3A_340 : vector<16xf32>
      %mul3A_342 = arith.mulf %get3A_340, %get3A_340 : vector<16xf32>
      %add3A_343 = arith.addf %scan3A_318, %mul3A_342 : vector<16xf32>
      %get3A_344 = arith.index_cast %scan3A_307 : i32 to index
      %get3A_345 = arith.constant 48 : index
      %get3A_346 = tpu.vector_load %arg7[%get3A_344, %get3A_345] {strides = array<i32>} : memref<512x128xf32, #tpu.memory_space<vmem>>, vector<1x16xf32>,
      %get3A_347 = vector.shape_cast %get3A_346 : vector<1x16xf32> to vector<16xf32>
      %add3A_348 = arith.addf %scan3A_311, %get3A_347 : vector<16xf32>
      %mul3A_349 = arith.mulf %get3A_347, %get3A_347 : vector<16xf32>
      %add3A_350 = arith.addf %scan3A_319, %mul3A_349 : vector<16xf32>
      %get3A_351 = arith.index_cast %scan3A_307 : i32 to index
      %get3A_352 = arith.constant 64 : index
      %get3A_353 = tpu.vector_load %arg7[%get3A_351, %get3A_352] {strides = array<i32>} : memref<512x128xf32, #tpu.memory_space<vmem>>, vector<1x16xf32>,
      %get3A_354 = vector.shape_cast %get3A_353 : vector<1x16xf32> to vector<16xf32>
      %add3A_355 = arith.addf %scan3A_312, %get3A_354 : vector<16xf32>
      %mul3A_356 = arith.mulf %get3A_354, %get3A_354 : vector<16xf32>
      %add3A_357 = arith.addf %scan3A_320, %mul3A_356 : vector<16xf32>
      %get3A_358 = arith.index_cast %scan3A_307 : i32 to index
      %get3A_359 = arith.constant 80 : index
      %get3A_360 = tpu.vector_load %arg7[%get3A_358, %get3A_359] {strides = array<i32>} : memref<512x128xf32, #tpu.memory_space<vmem>>, vector<1x16xf32>,
      %get3A_361 = vector.shape_cast %get3A_360 : vector<1x16xf32> to vector<16xf32>
      %add3A_362 = arith.addf %scan3A_313, %get3A_361 : vector<16xf32>
      %mul3A_363 = arith.mulf %get3A_361, %get3A_361 : vector<16xf32>
      %add3A_364 = arith.addf %scan3A_321, %mul3A_363 : vector<16xf32>
      %get3A_365 = arith.index_cast %scan3A_307 : i32 to index
      %get3A_366 = arith.constant 96 : index
      %get3A_367 = tpu.vector_load %arg7[%get3A_365, %get3A_366] {strides = array<i32>} : memref<512x128xf32, #tpu.memory_space<vmem>>, vector<1x16xf32>,
      %get3A_368 = vector.shape_cast %get3A_367 : vector<1x16xf32> to vector<16xf32>
      %add3A_369 = arith.addf %scan3A_314, %get3A_368 : vector<16xf32>
      %mul3A_370 = arith.mulf %get3A_368, %get3A_368 : vector<16xf32>
      %add3A_371 = arith.addf %scan3A_322, %mul3A_370 : vector<16xf32>
      %get3A_372 = arith.index_cast %scan3A_307 : i32 to index
      %get3A_373 = arith.constant 112 : index
      %get3A_374 = tpu.vector_load %arg7[%get3A_372, %get3A_373] {strides = array<i32>} : memref<512x128xf32, #tpu.memory_space<vmem>>, vector<1x16xf32>,
      %get3A_375 = vector.shape_cast %get3A_374 : vector<1x16xf32> to vector<16xf32>
      %add3A_376 = arith.addf %scan3A_315, %get3A_375 : vector<16xf32>
      %mul3A_377 = arith.mulf %get3A_375, %get3A_375 : vector<16xf32>
      %add3A_378 = arith.addf %scan3A_323, %mul3A_377 : vector<16xf32>
      scf.yield %add3A_327, %add3A_334, %add3A_341, %add3A_348, %add3A_355, %add3A_362, %add3A_369, %add3A_376, %add3A_329, %add3A_336, %add3A_343, %add3A_350, %add3A_357, %add3A_364, %add3A_371, %add3A_378 : vector<16xf32>, vector<16xf32>, vector<16xf32>, vector<16xf32>, vector<16xf32>, vector<16xf32>, vector<16xf32>, vector<16xf32>, vector<16xf32>, vector<16xf32>, vector<16xf32>, vector<16xf32>, vector<16xf32>, vector<16xf32>, vector<16xf32>, vector<16xf32>
    }
    %scan3A_156 = arith.constant 128 : i32
    %add3A_157 = arith.constant 384 : i32
    %add3A_158 = arith.addi %mul3A_2, %add3A_157 : i32
    %dma_start3A_159 = arith.constant 384 : i32
    %dma_start3A_160 = arith.constant 0 : i32
    %dma_start3A_161 = tpu.memref_slice %arg7[%dma_start3A_159, %dma_start3A_160] : memref<512x128xf32, #tpu.memory_space<vmem>> -> memref<128x128xf32, #tpu.memory_space<vmem>>
    %dma_start3A_162 = arith.constant 0 : i32
    %dma_start3A_163 = tpu.memref_slice %arg4[%add3A_158, %dma_start3A_162] : memref<16384x128xf32, #tpu.memory_space<hbm>> -> memref<128x128xf32, #tpu.memory_space<hbm>>
    %dma_start3A_164 = arith.constant 0 : i32
    %dma_start3A_165 = tpu.memref_slice %arg4[%add3A_158, %dma_start3A_164] : memref<16384x128xf32, #tpu.memory_space<hbm>> -> memref<128x128xf32, #tpu.memory_space<hbm>>
    %dma_start3A_166 = arith.constant 384 : i32
    %dma_start3A_167 = arith.constant 0 : i32
    %dma_start3A_168 = tpu.memref_slice %arg7[%dma_start3A_166, %dma_start3A_167] : memref<512x128xf32, #tpu.memory_space<vmem>> -> memref<128x128xf32, #tpu.memory_space<vmem>>
    tpu.enqueue_dma source(%dma_start3A_168 : memref<128x128xf32, #tpu.memory_space<vmem>>) target(%dma_start3A_165 : memref<128x128xf32, #tpu.memory_space<hbm>>) target_semaphore(%arg10 : memref<!tpu.dma_semaphore, #tpu.memory_space<semaphore_mem>>)
    %swap3A = arith.constant 0 : i32
    %swap3A_169 = arith.index_cast %swap3A : i32 to index
    %swap3A_170 = arith.constant 0 : index
    %swap3A_171 = tpu.vector_load %arg8[%swap3A_169, %swap3A_170] {strides = array<i32>} : memref<2x128xf32, #tpu.memory_space<vmem>>, vector<1x16xf32>,
    %swap3A_172 = vector.shape_cast %swap3A_171 : vector<1x16xf32> to vector<16xf32>
    %swap3A_173 = vector.shape_cast %scan3A_155#0 : vector<16xf32> to vector<1x16xf32>
    tpu.vector_store %arg8[%swap3A_169, %swap3A_170], %swap3A_173 {strides = array<i32>} : memref<2x128xf32, #tpu.memory_space<vmem>>, vector<1x16xf32>,
    %swap3A_174 = arith.constant 1 : i32
    %swap3A_175 = arith.index_cast %swap3A_174 : i32 to index
    %swap3A_176 = arith.constant 0 : index
    %swap3A_177 = tpu.vector_load %arg8[%swap3A_175, %swap3A_176] {strides = array<i32>} : memref<2x128xf32, #tpu.memory_space<vmem>>, vector<1x16xf32>,
    %swap3A_178 = vector.shape_cast %swap3A_177 : vector<1x16xf32> to vector<16xf32>
    %swap3A_179 = vector.shape_cast %scan3A_155#8 : vector<16xf32> to vector<1x16xf32>
    tpu.vector_store %arg8[%swap3A_175, %swap3A_176], %swap3A_179 {strides = array<i32>} : memref<2x128xf32, #tpu.memory_space<vmem>>, vector<1x16xf32>,
    %swap3A_180 = arith.constant 0 : i32
    %swap3A_181 = arith.index_cast %swap3A_180 : i32 to index
    %swap3A_182 = arith.constant 16 : index
    %swap3A_183 = tpu.vector_load %arg8[%swap3A_181, %swap3A_182] {strides = array<i32>} : memref<2x128xf32, #tpu.memory_space<vmem>>, vector<1x16xf32>,
    %swap3A_184 = vector.shape_cast %swap3A_183 : vector<1x16xf32> to vector<16xf32>
    %swap3A_185 = vector.shape_cast %scan3A_155#1 : vector<16xf32> to vector<1x16xf32>
    tpu.vector_store %arg8[%swap3A_181, %swap3A_182], %swap3A_185 {strides = array<i32>} : memref<2x128xf32, #tpu.memory_space<vmem>>, vector<1x16xf32>,
    %swap3A_186 = arith.constant 1 : i32
    %swap3A_187 = arith.index_cast %swap3A_186 : i32 to index
    %swap3A_188 = arith.constant 16 : index
    %swap3A_189 = tpu.vector_load %arg8[%swap3A_187, %swap3A_188] {strides = array<i32>} : memref<2x128xf32, #tpu.memory_space<vmem>>, vector<1x16xf32>,
    %swap3A_190 = vector.shape_cast %swap3A_189 : vector<1x16xf32> to vector<16xf32>
    %swap3A_191 = vector.shape_cast %scan3A_155#9 : vector<16xf32> to vector<1x16xf32>
    tpu.vector_store %arg8[%swap3A_187, %swap3A_188], %swap3A_191 {strides = array<i32>} : memref<2x128xf32, #tpu.memory_space<vmem>>, vector<1x16xf32>,
    %swap3A_192 = arith.constant 0 : i32
    %swap3A_193 = arith.index_cast %swap3A_192 : i32 to index
    %swap3A_194 = arith.constant 32 : index
    %swap3A_195 = tpu.vector_load %arg8[%swap3A_193, %swap3A_194] {strides = array<i32>} : memref<2x128xf32, #tpu.memory_space<vmem>>, vector<1x16xf32>,
    %swap3A_196 = vector.shape_cast %swap3A_195 : vector<1x16xf32> to vector<16xf32>
    %swap3A_197 = vector.shape_cast %scan3A_155#2 : vector<16xf32> to vector<1x16xf32>
    tpu.vector_store %arg8[%swap3A_193, %swap3A_194], %swap3A_197 {strides = array<i32>} : memref<2x128xf32, #tpu.memory_space<vmem>>, vector<1x16xf32>,
    %swap3A_198 = arith.constant 1 : i32
    %swap3A_199 = arith.index_cast %swap3A_198 : i32 to index
    %swap3A_200 = arith.constant 32 : index
    %swap3A_201 = tpu.vector_load %arg8[%swap3A_199, %swap3A_200] {strides = array<i32>} : memref<2x128xf32, #tpu.memory_space<vmem>>, vector<1x16xf32>,
    %swap3A_202 = vector.shape_cast %swap3A_201 : vector<1x16xf32> to vector<16xf32>
    %swap3A_203 = vector.shape_cast %scan3A_155#10 : vector<16xf32> to vector<1x16xf32>
    tpu.vector_store %arg8[%swap3A_199, %swap3A_200], %swap3A_203 {strides = array<i32>} : memref<2x128xf32, #tpu.memory_space<vmem>>, vector<1x16xf32>,
    %swap3A_204 = arith.constant 0 : i32
    %swap3A_205 = arith.index_cast %swap3A_204 : i32 to index
    %swap3A_206 = arith.constant 48 : index
    %swap3A_207 = tpu.vector_load %arg8[%swap3A_205, %swap3A_206] {strides = array<i32>} : memref<2x128xf32, #tpu.memory_space<vmem>>, vector<1x16xf32>,
    %swap3A_208 = vector.shape_cast %swap3A_207 : vector<1x16xf32> to vector<16xf32>
    %swap3A_209 = vector.shape_cast %scan3A_155#3 : vector<16xf32> to vector<1x16xf32>
    tpu.vector_store %arg8[%swap3A_205, %swap3A_206], %swap3A_209 {strides = array<i32>} : memref<2x128xf32, #tpu.memory_space<vmem>>, vector<1x16xf32>,
    %swap3A_210 = arith.constant 1 : i32
    %swap3A_211 = arith.index_cast %swap3A_210 : i32 to index
    %swap3A_212 = arith.constant 48 : index
    %swap3A_213 = tpu.vector_load %arg8[%swap3A_211, %swap3A_212] {strides = array<i32>} : memref<2x128xf32, #tpu.memory_space<vmem>>, vector<1x16xf32>,
    %swap3A_214 = vector.shape_cast %swap3A_213 : vector<1x16xf32> to vector<16xf32>
    %swap3A_215 = vector.shape_cast %scan3A_155#11 : vector<16xf32> to vector<1x16xf32>
    tpu.vector_store %arg8[%swap3A_211, %swap3A_212], %swap3A_215 {strides = array<i32>} : memref<2x128xf32, #tpu.memory_space<vmem>>, vector<1x16xf32>,
    %swap3A_216 = arith.constant 0 : i32
    %swap3A_217 = arith.index_cast %swap3A_216 : i32 to index
    %swap3A_218 = arith.constant 64 : index
    %swap3A_219 = tpu.vector_load %arg8[%swap3A_217, %swap3A_218] {strides = array<i32>} : memref<2x128xf32, #tpu.memory_space<vmem>>, vector<1x16xf32>,
    %swap3A_220 = vector.shape_cast %swap3A_219 : vector<1x16xf32> to vector<16xf32>
    %swap3A_221 = vector.shape_cast %scan3A_155#4 : vector<16xf32> to vector<1x16xf32>
    tpu.vector_store %arg8[%swap3A_217, %swap3A_218], %swap3A_221 {strides = array<i32>} : memref<2x128xf32, #tpu.memory_space<vmem>>, vector<1x16xf32>,
    %swap3A_222 = arith.constant 1 : i32
    %swap3A_223 = arith.index_cast %swap3A_222 : i32 to index
    %swap3A_224 = arith.constant 64 : index
    %swap3A_225 = tpu.vector_load %arg8[%swap3A_223, %swap3A_224] {strides = array<i32>} : memref<2x128xf32, #tpu.memory_space<vmem>>, vector<1x16xf32>,
    %swap3A_226 = vector.shape_cast %swap3A_225 : vector<1x16xf32> to vector<16xf32>
    %swap3A_227 = vector.shape_cast %scan3A_155#12 : vector<16xf32> to vector<1x16xf32>
    tpu.vector_store %arg8[%swap3A_223, %swap3A_224], %swap3A_227 {strides = array<i32>} : memref<2x128xf32, #tpu.memory_space<vmem>>, vector<1x16xf32>,
    %swap3A_228 = arith.constant 0 : i32
    %swap3A_229 = arith.index_cast %swap3A_228 : i32 to index
    %swap3A_230 = arith.constant 80 : index
    %swap3A_231 = tpu.vector_load %arg8[%swap3A_229, %swap3A_230] {strides = array<i32>} : memref<2x128xf32, #tpu.memory_space<vmem>>, vector<1x16xf32>,
    %swap3A_232 = vector.shape_cast %swap3A_231 : vector<1x16xf32> to vector<16xf32>
    %swap3A_233 = vector.shape_cast %scan3A_155#5 : vector<16xf32> to vector<1x16xf32>
    tpu.vector_store %arg8[%swap3A_229, %swap3A_230], %swap3A_233 {strides = array<i32>} : memref<2x128xf32, #tpu.memory_space<vmem>>, vector<1x16xf32>,
    %swap3A_234 = arith.constant 1 : i32
    %swap3A_235 = arith.index_cast %swap3A_234 : i32 to index
    %swap3A_236 = arith.constant 80 : index
    %swap3A_237 = tpu.vector_load %arg8[%swap3A_235, %swap3A_236] {strides = array<i32>} : memref<2x128xf32, #tpu.memory_space<vmem>>, vector<1x16xf32>,
    %swap3A_238 = vector.shape_cast %swap3A_237 : vector<1x16xf32> to vector<16xf32>
    %swap3A_239 = vector.shape_cast %scan3A_155#13 : vector<16xf32> to vector<1x16xf32>
    tpu.vector_store %arg8[%swap3A_235, %swap3A_236], %swap3A_239 {strides = array<i32>} : memref<2x128xf32, #tpu.memory_space<vmem>>, vector<1x16xf32>,
    %swap3A_240 = arith.constant 0 : i32
    %swap3A_241 = arith.index_cast %swap3A_240 : i32 to index
    %swap3A_242 = arith.constant 96 : index
    %swap3A_243 = tpu.vector_load %arg8[%swap3A_241, %swap3A_242] {strides = array<i32>} : memref<2x128xf32, #tpu.memory_space<vmem>>, vector<1x16xf32>,
    %swap3A_244 = vector.shape_cast %swap3A_243 : vector<1x16xf32> to vector<16xf32>
    %swap3A_245 = vector.shape_cast %scan3A_155#6 : vector<16xf32> to vector<1x16xf32>
    tpu.vector_store %arg8[%swap3A_241, %swap3A_242], %swap3A_245 {strides = array<i32>} : memref<2x128xf32, #tpu.memory_space<vmem>>, vector<1x16xf32>,
    %swap3A_246 = arith.constant 1 : i32
    %swap3A_247 = arith.index_cast %swap3A_246 : i32 to index
    %swap3A_248 = arith.constant 96 : index
    %swap3A_249 = tpu.vector_load %arg8[%swap3A_247, %swap3A_248] {strides = array<i32>} : memref<2x128xf32, #tpu.memory_space<vmem>>, vector<1x16xf32>,
    %swap3A_250 = vector.shape_cast %swap3A_249 : vector<1x16xf32> to vector<16xf32>
    %swap3A_251 = vector.shape_cast %scan3A_155#14 : vector<16xf32> to vector<1x16xf32>
    tpu.vector_store %arg8[%swap3A_247, %swap3A_248], %swap3A_251 {strides = array<i32>} : memref<2x128xf32, #tpu.memory_space<vmem>>, vector<1x16xf32>,
    %swap3A_252 = arith.constant 0 : i32
    %swap3A_253 = arith.index_cast %swap3A_252 : i32 to index
    %swap3A_254 = arith.constant 112 : index
    %swap3A_255 = tpu.vector_load %arg8[%swap3A_253, %swap3A_254] {strides = array<i32>} : memref<2x128xf32, #tpu.memory_space<vmem>>, vector<1x16xf32>,
    %swap3A_256 = vector.shape_cast %swap3A_255 : vector<1x16xf32> to vector<16xf32>
    %swap3A_257 = vector.shape_cast %scan3A_155#7 : vector<16xf32> to vector<1x16xf32>
    tpu.vector_store %arg8[%swap3A_253, %swap3A_254], %swap3A_257 {strides = array<i32>} : memref<2x128xf32, #tpu.memory_space<vmem>>, vector<1x16xf32>,
    %swap3A_258 = arith.constant 1 : i32
    %swap3A_259 = arith.index_cast %swap3A_258 : i32 to index
    %swap3A_260 = arith.constant 112 : index
    %swap3A_261 = tpu.vector_load %arg8[%swap3A_259, %swap3A_260] {strides = array<i32>} : memref<2x128xf32, #tpu.memory_space<vmem>>, vector<1x16xf32>,
    %swap3A_262 = vector.shape_cast %swap3A_261 : vector<1x16xf32> to vector<16xf32>
    %swap3A_263 = vector.shape_cast %scan3A_155#15 : vector<16xf32> to vector<1x16xf32>
    tpu.vector_store %arg8[%swap3A_259, %swap3A_260], %swap3A_263 {strides = array<i32>} : memref<2x128xf32, #tpu.memory_space<vmem>>, vector<1x16xf32>,
    %run_scoped3A = arith.constant 0 : i32
    %run_scoped3A_264 = arith.constant 0 : i32
    "tpu.region"() ({
      %run_scoped3A_307 = tpu.sem_alloc : memref<!tpu.dma_semaphore, #tpu.memory_space<semaphore_mem>>
      %dma_start3A_308 = arith.constant 0 : i32
      %dma_start3A_309 = tpu.memref_slice %arg8[%run_scoped3A, %dma_start3A_308] : memref<2x128xf32, #tpu.memory_space<vmem>> -> memref<1x128xf32, #tpu.memory_space<vmem>>
      %dma_start3A_310 = tpu.memref_squeeze %dma_start3A_309 : memref<1x128xf32, #tpu.memory_space<vmem>> -> memref<128xf32, #tpu.memory_space<vmem>>
      %dma_start3A_311 = arith.constant 0 : i32
      %dma_start3A_312 = tpu.memref_slice %arg5[%run_scoped3A_264, %add3A, %dma_start3A_311] : memref<2x32x128xf32, #tpu.memory_space<hbm>> -> memref<1x1x128xf32, #tpu.memory_space<hbm>>
      %dma_start3A_313 = tpu.memref_squeeze %dma_start3A_312 : memref<1x1x128xf32, #tpu.memory_space<hbm>> -> memref<128xf32, #tpu.memory_space<hbm>>
      %dma_start3A_314 = arith.constant 0 : i32
      %dma_start3A_315 = tpu.memref_slice %arg5[%run_scoped3A_264, %add3A, %dma_start3A_314] : memref<2x32x128xf32, #tpu.memory_space<hbm>> -> memref<1x1x128xf32, #tpu.memory_space<hbm>>
      %dma_start3A_316 = tpu.memref_squeeze %dma_start3A_315 : memref<1x1x128xf32, #tpu.memory_space<hbm>> -> memref<128xf32, #tpu.memory_space<hbm>>
      %dma_start3A_317 = arith.constant 0 : i32
      %dma_start3A_318 = tpu.memref_slice %arg8[%run_scoped3A, %dma_start3A_317] : memref<2x128xf32, #tpu.memory_space<vmem>> -> memref<1x128xf32, #tpu.memory_space<vmem>>
      %dma_start3A_319 = tpu.memref_squeeze %dma_start3A_318 : memref<1x128xf32, #tpu.memory_space<vmem>> -> memref<128xf32, #tpu.memory_space<vmem>>
      tpu.enqueue_dma source(%dma_start3A_319 : memref<128xf32, #tpu.memory_space<vmem>>) target(%dma_start3A_316 : memref<128xf32, #tpu.memory_space<hbm>>) target_semaphore(%run_scoped3A_307 : memref<!tpu.dma_semaphore, #tpu.memory_space<semaphore_mem>>)
      %dma_wait3A_320 = arith.constant 0 : i32
      %dma_wait3A_321 = tpu.memref_slice %arg8[%run_scoped3A, %dma_wait3A_320] : memref<2x128xf32, #tpu.memory_space<vmem>> -> memref<1x128xf32, #tpu.memory_space<vmem>>
      %dma_wait3A_322 = tpu.memref_squeeze %dma_wait3A_321 : memref<1x128xf32, #tpu.memory_space<vmem>> -> memref<128xf32, #tpu.memory_space<vmem>>
      %dma_wait3A_323 = arith.constant 0 : i32
      %dma_wait3A_324 = tpu.memref_slice %arg5[%run_scoped3A_264, %add3A, %dma_wait3A_323] : memref<2x32x128xf32, #tpu.memory_space<hbm>> -> memref<1x1x128xf32, #tpu.memory_space<hbm>>
      %dma_wait3A_325 = tpu.memref_squeeze %dma_wait3A_324 : memref<1x1x128xf32, #tpu.memory_space<hbm>> -> memref<128xf32, #tpu.memory_space<hbm>>
      %dma_wait3A_326 = arith.constant 0 : i32
      %dma_wait3A_327 = tpu.memref_slice %arg5[%run_scoped3A_264, %add3A, %dma_wait3A_326] : memref<2x32x128xf32, #tpu.memory_space<hbm>> -> memref<1x1x128xf32, #tpu.memory_space<hbm>>
      %dma_wait3A_328 = tpu.memref_squeeze %dma_wait3A_327 : memref<1x1x128xf32, #tpu.memory_space<hbm>> -> memref<128xf32, #tpu.memory_space<hbm>>
      %dma_wait3A_329 = arith.constant 0 : i32
      %dma_wait3A_330 = tpu.memref_slice %arg8[%run_scoped3A, %dma_wait3A_329] : memref<2x128xf32, #tpu.memory_space<vmem>> -> memref<1x128xf32, #tpu.memory_space<vmem>>
      %dma_wait3A_331 = tpu.memref_squeeze %dma_wait3A_330 : memref<1x128xf32, #tpu.memory_space<vmem>> -> memref<128xf32, #tpu.memory_space<vmem>>
      tpu.wait_dma2 semaphore(%run_scoped3A_307 : memref<!tpu.dma_semaphore, #tpu.memory_space<semaphore_mem>>) src(%dma_wait3A_331 : memref<128xf32, #tpu.memory_space<vmem>>) dst(%dma_wait3A_328 : memref<128xf32, #tpu.memory_space<hbm>>)
      tpu.yield
    }) : () -> ()
    %run_scoped3A_265 = arith.constant 1 : i32
    %run_scoped3A_266 = arith.constant 1 : i32
    "tpu.region"() ({
      %run_scoped3A_307 = tpu.sem_alloc : memref<!tpu.dma_semaphore, #tpu.memory_space<semaphore_mem>>
      %dma_start3A_308 = arith.constant 0 : i32
      %dma_start3A_309 = tpu.memref_slice %arg8[%run_scoped3A_265, %dma_start3A_308] : memref<2x128xf32, #tpu.memory_space<vmem>> -> memref<1x128xf32, #tpu.memory_space<vmem>>
      %dma_start3A_310 = tpu.memref_squeeze %dma_start3A_309 : memref<1x128xf32, #tpu.memory_space<vmem>> -> memref<128xf32, #tpu.memory_space<vmem>>
      %dma_start3A_311 = arith.constant 0 : i32
      %dma_start3A_312 = tpu.memref_slice %arg5[%run_scoped3A_266, %add3A, %dma_start3A_311] : memref<2x32x128xf32, #tpu.memory_space<hbm>> -> memref<1x1x128xf32, #tpu.memory_space<hbm>>
      %dma_start3A_313 = tpu.memref_squeeze %dma_start3A_312 : memref<1x1x128xf32, #tpu.memory_space<hbm>> -> memref<128xf32, #tpu.memory_space<hbm>>
      %dma_start3A_314 = arith.constant 0 : i32
      %dma_start3A_315 = tpu.memref_slice %arg5[%run_scoped3A_266, %add3A, %dma_start3A_314] : memref<2x32x128xf32, #tpu.memory_space<hbm>> -> memref<1x1x128xf32, #tpu.memory_space<hbm>>
      %dma_start3A_316 = tpu.memref_squeeze %dma_start3A_315 : memref<1x1x128xf32, #tpu.memory_space<hbm>> -> memref<128xf32, #tpu.memory_space<hbm>>
      %dma_start3A_317 = arith.constant 0 : i32
      %dma_start3A_318 = tpu.memref_slice %arg8[%run_scoped3A_265, %dma_start3A_317] : memref<2x128xf32, #tpu.memory_space<vmem>> -> memref<1x128xf32, #tpu.memory_space<vmem>>
      %dma_start3A_319 = tpu.memref_squeeze %dma_start3A_318 : memref<1x128xf32, #tpu.memory_space<vmem>> -> memref<128xf32, #tpu.memory_space<vmem>>
      tpu.enqueue_dma source(%dma_start3A_319 : memref<128xf32, #tpu.memory_space<vmem>>) target(%dma_start3A_316 : memref<128xf32, #tpu.memory_space<hbm>>) target_semaphore(%run_scoped3A_307 : memref<!tpu.dma_semaphore, #tpu.memory_space<semaphore_mem>>)
      %dma_wait3A_320 = arith.constant 0 : i32
      %dma_wait3A_321 = tpu.memref_slice %arg8[%run_scoped3A_265, %dma_wait3A_320] : memref<2x128xf32, #tpu.memory_space<vmem>> -> memref<1x128xf32, #tpu.memory_space<vmem>>
      %dma_wait3A_322 = tpu.memref_squeeze %dma_wait3A_321 : memref<1x128xf32, #tpu.memory_space<vmem>> -> memref<128xf32, #tpu.memory_space<vmem>>
      %dma_wait3A_323 = arith.constant 0 : i32
      %dma_wait3A_324 = tpu.memref_slice %arg5[%run_scoped3A_266, %add3A, %dma_wait3A_323] : memref<2x32x128xf32, #tpu.memory_space<hbm>> -> memref<1x1x128xf32, #tpu.memory_space<hbm>>
      %dma_wait3A_325 = tpu.memref_squeeze %dma_wait3A_324 : memref<1x1x128xf32, #tpu.memory_space<hbm>> -> memref<128xf32, #tpu.memory_space<hbm>>
      %dma_wait3A_326 = arith.constant 0 : i32
      %dma_wait3A_327 = tpu.memref_slice %arg5[%run_scoped3A_266, %add3A, %dma_wait3A_326] : memref<2x32x128xf32, #tpu.memory_space<hbm>> -> memref<1x1x128xf32, #tpu.memory_space<hbm>>
      %dma_wait3A_328 = tpu.memref_squeeze %dma_wait3A_327 : memref<1x1x128xf32, #tpu.memory_space<hbm>> -> memref<128xf32, #tpu.memory_space<hbm>>
      %dma_wait3A_329 = arith.constant 0 : i32
      %dma_wait3A_330 = tpu.memref_slice %arg8[%run_scoped3A_265, %dma_wait3A_329] : memref<2x128xf32, #tpu.memory_space<vmem>> -> memref<1x128xf32, #tpu.memory_space<vmem>>
      %dma_wait3A_331 = tpu.memref_squeeze %dma_wait3A_330 : memref<1x128xf32, #tpu.memory_space<vmem>> -> memref<128xf32, #tpu.memory_space<vmem>>
      tpu.wait_dma2 semaphore(%run_scoped3A_307 : memref<!tpu.dma_semaphore, #tpu.memory_space<semaphore_mem>>) src(%dma_wait3A_331 : memref<128xf32, #tpu.memory_space<vmem>>) dst(%dma_wait3A_328 : memref<128xf32, #tpu.memory_space<hbm>>)
      tpu.yield
    }) : () -> ()
    %dma_wait3A_267 = arith.constant 0 : i32
    %dma_wait3A_268 = arith.constant 0 : i32
    %dma_wait3A_269 = tpu.memref_slice %arg7[%dma_wait3A_267, %dma_wait3A_268] : memref<512x128xf32, #tpu.memory_space<vmem>> -> memref<128x128xf32, #tpu.memory_space<vmem>>
    %dma_wait3A_270 = arith.constant 0 : i32
    %dma_wait3A_271 = tpu.memref_slice %arg4[%add3A_74, %dma_wait3A_270] : memref<16384x128xf32, #tpu.memory_space<hbm>> -> memref<128x128xf32, #tpu.memory_space<hbm>>
    %dma_wait3A_272 = arith.constant 0 : i32
    %dma_wait3A_273 = tpu.memref_slice %arg4[%add3A_74, %dma_wait3A_272] : memref<16384x128xf32, #tpu.memory_space<hbm>> -> memref<128x128xf32, #tpu.memory_space<hbm>>
    %dma_wait3A_274 = arith.constant 0 : i32
    %dma_wait3A_275 = arith.constant 0 : i32
    %dma_wait3A_276 = tpu.memref_slice %arg7[%dma_wait3A_274, %dma_wait3A_275] : memref<512x128xf32, #tpu.memory_space<vmem>> -> memref<128x128xf32, #tpu.memory_space<vmem>>
    tpu.wait_dma2 semaphore(%arg10 : memref<!tpu.dma_semaphore, #tpu.memory_space<semaphore_mem>>) src(%dma_wait3A_276 : memref<128x128xf32, #tpu.memory_space<vmem>>) dst(%dma_wait3A_273 : memref<128x128xf32, #tpu.memory_space<hbm>>)
    %dma_wait3A_277 = arith.constant 128 : i32
    %dma_wait3A_278 = arith.constant 0 : i32
    %dma_wait3A_279 = tpu.memref_slice %arg7[%dma_wait3A_277, %dma_wait3A_278] : memref<512x128xf32, #tpu.memory_space<vmem>> -> memref<128x128xf32, #tpu.memory_space<vmem>>
    %dma_wait3A_280 = arith.constant 0 : i32
    %dma_wait3A_281 = tpu.memref_slice %arg4[%add3A_102, %dma_wait3A_280] : memref<16384x128xf32, #tpu.memory_space<hbm>> -> memref<128x128xf32, #tpu.memory_space<hbm>>
    %dma_wait3A_282 = arith.constant 0 : i32
    %dma_wait3A_283 = tpu.memref_slice %arg4[%add3A_102, %dma_wait3A_282] : memref<16384x128xf32, #tpu.memory_space<hbm>> -> memref<128x128xf32, #tpu.memory_space<hbm>>
    %dma_wait3A_284 = arith.constant 128 : i32
    %dma_wait3A_285 = arith.constant 0 : i32
    %dma_wait3A_286 = tpu.memref_slice %arg7[%dma_wait3A_284, %dma_wait3A_285] : memref<512x128xf32, #tpu.memory_space<vmem>> -> memref<128x128xf32, #tpu.memory_space<vmem>>
    tpu.wait_dma2 semaphore(%arg10 : memref<!tpu.dma_semaphore, #tpu.memory_space<semaphore_mem>>) src(%dma_wait3A_286 : memref<128x128xf32, #tpu.memory_space<vmem>>) dst(%dma_wait3A_283 : memref<128x128xf32, #tpu.memory_space<hbm>>)
    %dma_wait3A_287 = arith.constant 256 : i32
    %dma_wait3A_288 = arith.constant 0 : i32
    %dma_wait3A_289 = tpu.memref_slice %arg7[%dma_wait3A_287, %dma_wait3A_288] : memref<512x128xf32, #tpu.memory_space<vmem>> -> memref<128x128xf32, #tpu.memory_space<vmem>>
    %dma_wait3A_290 = arith.constant 0 : i32
    %dma_wait3A_291 = tpu.memref_slice %arg4[%add3A_130, %dma_wait3A_290] : memref<16384x128xf32, #tpu.memory_space<hbm>> -> memref<128x128xf32, #tpu.memory_space<hbm>>
    %dma_wait3A_292 = arith.constant 0 : i32
    %dma_wait3A_293 = tpu.memref_slice %arg4[%add3A_130, %dma_wait3A_292] : memref<16384x128xf32, #tpu.memory_space<hbm>> -> memref<128x128xf32, #tpu.memory_space<hbm>>
    %dma_wait3A_294 = arith.constant 256 : i32
    %dma_wait3A_295 = arith.constant 0 : i32
    %dma_wait3A_296 = tpu.memref_slice %arg7[%dma_wait3A_294, %dma_wait3A_295] : memref<512x128xf32, #tpu.memory_space<vmem>> -> memref<128x128xf32, #tpu.memory_space<vmem>>
    tpu.wait_dma2 semaphore(%arg10 : memref<!tpu.dma_semaphore, #tpu.memory_space<semaphore_mem>>) src(%dma_wait3A_296 : memref<128x128xf32, #tpu.memory_space<vmem>>) dst(%dma_wait3A_293 : memref<128x128xf32, #tpu.memory_space<hbm>>)
    %dma_wait3A_297 = arith.constant 384 : i32
    %dma_wait3A_298 = arith.constant 0 : i32
    %dma_wait3A_299 = tpu.memref_slice %arg7[%dma_wait3A_297, %dma_wait3A_298] : memref<512x128xf32, #tpu.memory_space<vmem>> -> memref<128x128xf32, #tpu.memory_space<vmem>>
    %dma_wait3A_300 = arith.constant 0 : i32
    %dma_wait3A_301 = tpu.memref_slice %arg4[%add3A_158, %dma_wait3A_300] : memref<16384x128xf32, #tpu.memory_space<hbm>> -> memref<128x128xf32, #tpu.memory_space<hbm>>
    %dma_wait3A_302 = arith.constant 0 : i32
    %dma_wait3A_303 = tpu.memref_slice %arg4[%add3A_158, %dma_wait3A_302] : memref<16384x128xf32, #tpu.memory_space<hbm>> -> memref<128x128xf32, #tpu.memory_space<hbm>>
    %dma_wait3A_304 = arith.constant 384 : i32
    %dma_wait3A_305 = arith.constant 0 : i32
    %dma_wait3A_306 = tpu.memref_slice %arg7[%dma_wait3A_304, %dma_wait3A_305] : memref<512x128xf32, #tpu.memory_space<vmem>> -> memref<128x128xf32, #tpu.memory_space<vmem>>
    tpu.wait_dma2 semaphore(%arg10 : memref<!tpu.dma_semaphore, #tpu.memory_space<semaphore_mem>>) src(%dma_wait3A_306 : memref<128x128xf32, #tpu.memory_space<vmem>>) dst(%dma_wait3A_303 : memref<128x128xf32, #tpu.memory_space<hbm>>)
    return
  }
}

module attributes {stable_mosaic.version = 14 : i64} {
  func.func @body(%arg0: i32, %arg1: memref<2x32x128xf32, #tpu.memory_space<vmem>>, %arg2: memref<1x128xf32, #tpu.memory_space<vmem>>, %arg3: memref<1x128xf32, #tpu.memory_space<vmem>>, %arg4: memref<8192x128xf32, #tpu.memory_space<vmem>>, %arg5: memref<8192x128xf32, #tpu.memory_space<vmem>>) attributes {dimension_semantics = [#tpu.dimension_semantics<arbitrary>], iteration_bounds = array<i64: 2>, scalar_prefetch = 0 : i64, scratch_operands = 0 : i64, tpu.core_type = #tpu.core_type<tc>, window_params = [{pipeline_mode = #tpu.pipeline_mode<synchronous>, transform_indices = @transform_0, window_bounds = array<i64: 2, 32, 128>}, {pipeline_mode = #tpu.pipeline_mode<synchronous>, transform_indices = @transform_1, window_bounds = array<i64: 1, 128>}, {pipeline_mode = #tpu.pipeline_mode<synchronous>, transform_indices = @transform_2, window_bounds = array<i64: 1, 128>}, {transform_indices = @transform_3, window_bounds = array<i64: 8192, 128>}, {transform_indices = @transform_4, window_bounds = array<i64: 8192, 128>}]} {
    %get3A = arith.constant 0 : index
    %get3A_0 = arith.constant 0 : index
    %get3A_1 = arith.constant 0 : index
    %get3A_2 = vector.load %arg1[%get3A, %get3A_0, %get3A_1] : memref<2x32x128xf32, #tpu.memory_space<vmem>>, vector<1x32x128xf32>
    %get3A_3 = vector.shape_cast %get3A_2 : vector<1x32x128xf32> to vector<32x128xf32>
    %reduce_sum3A = arith.constant dense<0.000000e+00> : vector<128xf32>
    %reduce_sum3A_4 = vector.multi_reduction <add>, %get3A_3, %reduce_sum3A [0] : vector<32x128xf32> to vector<128xf32>
    %div3A = arith.constant 1.638400e+04 : f32
    %div3A_5 = vector.broadcast %div3A : f32 to vector<128xf32>
    %div3A_6 = arith.divf %reduce_sum3A_4, %div3A_5 : vector<128xf32>
    %get3A_7 = arith.constant 1 : index
    %get3A_8 = arith.constant 0 : index
    %get3A_9 = arith.constant 0 : index
    %get3A_10 = vector.load %arg1[%get3A_7, %get3A_8, %get3A_9] : memref<2x32x128xf32, #tpu.memory_space<vmem>>, vector<1x32x128xf32>
    %get3A_11 = vector.shape_cast %get3A_10 : vector<1x32x128xf32> to vector<32x128xf32>
    %reduce_sum3A_12 = arith.constant dense<0.000000e+00> : vector<128xf32>
    %reduce_sum3A_13 = vector.multi_reduction <add>, %get3A_11, %reduce_sum3A_12 [0] : vector<32x128xf32> to vector<128xf32>
    %div3A_14 = arith.constant 1.638400e+04 : f32
    %div3A_15 = vector.broadcast %div3A_14 : f32 to vector<128xf32>
    %div3A_16 = arith.divf %reduce_sum3A_13, %div3A_15 : vector<128xf32>
    %mul3A = arith.mulf %div3A_6, %div3A_6 : vector<128xf32>
    %sub3A = arith.subf %div3A_16, %mul3A : vector<128xf32>
    %get3A_17 = arith.constant 0 : index
    %get3A_18 = arith.constant 0 : index
    %get3A_19 = vector.load %arg2[%get3A_17, %get3A_18] : memref<1x128xf32, #tpu.memory_space<vmem>>, vector<1x128xf32>
    %get3A_20 = vector.shape_cast %get3A_19 : vector<1x128xf32> to vector<128xf32>
    %add3A = arith.constant 9.99999974E-6 : f32
    %add3A_21 = vector.broadcast %add3A : f32 to vector<128xf32>
    %add3A_22 = arith.addf %sub3A, %add3A_21 : vector<128xf32>
    %rsqrt3A = math.rsqrt %add3A_22 : vector<128xf32>
    %mul3A_23 = arith.mulf %get3A_20, %rsqrt3A : vector<128xf32>
    %get3A_24 = arith.constant 0 : index
    %get3A_25 = arith.constant 0 : index
    %get3A_26 = vector.load %arg3[%get3A_24, %get3A_25] : memref<1x128xf32, #tpu.memory_space<vmem>>, vector<1x128xf32>
    %get3A_27 = vector.shape_cast %get3A_26 : vector<1x128xf32> to vector<128xf32>
    %mul3A_28 = arith.mulf %div3A_6, %mul3A_23 : vector<128xf32>
    %sub3A_29 = arith.subf %get3A_27, %mul3A_28 : vector<128xf32>
    %get3A_30 = arith.constant 0 : index
    %get3A_31 = arith.constant 0 : index
    %get3A_32 = vector.load %arg4[%get3A_30, %get3A_31] : memref<8192x128xf32, #tpu.memory_space<vmem>>, vector<8192x128xf32>
    %broadcast_in_dim3A = vector.shape_cast %mul3A_23 : vector<128xf32> to vector<1x128xf32>
    %mul3A_33 = vector.broadcast %broadcast_in_dim3A : vector<1x128xf32> to vector<8192x128xf32>
    %mul3A_34 = arith.mulf %get3A_32, %mul3A_33 : vector<8192x128xf32>
    %broadcast_in_dim3A_35 = vector.shape_cast %sub3A_29 : vector<128xf32> to vector<1x128xf32>
    %add3A_36 = vector.broadcast %broadcast_in_dim3A_35 : vector<1x128xf32> to vector<8192x128xf32>
    %add3A_37 = arith.addf %mul3A_34, %add3A_36 : vector<8192x128xf32>
    %swap3A = arith.constant 0 : index
    %swap3A_38 = arith.constant 0 : index
    %swap3A_39 = vector.load %arg5[%swap3A, %swap3A_38] : memref<8192x128xf32, #tpu.memory_space<vmem>>, vector<8192x128xf32>
    tpu.vector_store %arg5[%swap3A, %swap3A_38], %add3A_37 {strides = array<i32>} : memref<8192x128xf32, #tpu.memory_space<vmem>>, vector<8192x128xf32>,
    return
  }
  func.func @transform_0(%arg0: i32) -> (i32, i32, i32) {
    %c0_i32 = arith.constant 0 : i32
    %c0_i32_0 = arith.constant 0 : i32
    %c0_i32_1 = arith.constant 0 : i32
    %c0_i32_2 = arith.constant 0 : i32
    return %c0_i32, %c0_i32_0, %c0_i32_1 : i32, i32, i32
  }
  func.func @transform_1(%arg0: i32) -> (i32, i32) {
    %c0_i32 = arith.constant 0 : i32
    %c0_i32_0 = arith.constant 0 : i32
    %c0_i32_1 = arith.constant 0 : i32
    return %c0_i32, %c0_i32_0 : i32, i32
  }
  func.func @transform_2(%arg0: i32) -> (i32, i32) {
    %c0_i32 = arith.constant 0 : i32
    %c0_i32_0 = arith.constant 0 : i32
    %c0_i32_1 = arith.constant 0 : i32
    return %c0_i32, %c0_i32_0 : i32, i32
  }
  func.func @transform_3(%arg0: i32) -> (i32, i32) {
    %c0_i32 = arith.constant 0 : i32
    %c0_i32_0 = arith.constant 0 : i32
    return %arg0, %c0_i32 : i32, i32
  }
  func.func @transform_4(%arg0: i32) -> (i32, i32) {
    %c0_i32 = arith.constant 0 : i32
    %c0_i32_0 = arith.constant 0 : i32
    return %arg0, %c0_i32 : i32, i32
  }
}

</mosaic_0001>

<sc_bundles>
// kernel: kernel.4.cloned.1.call-start
scs
__scs_entry_jumppad:
0x0: {  	(pc) =	sbr.rel $0x88, $3  }
0x1: {  	(tag) =	ssettag $0x0;
	lr =	simm.s32 $0x1  }
0x2: {  	[smem:$0x3F9D] =	sst lr;
	_ =	strace $0xD0000000  }
0x3: {  	_ = 	snop  }
0x4: {  	_ = 	snop  }
0x5: {  	_ = 	snop  }
0x6: {  	_ = 	snop  }
0x7: {  	_ = 	snop  }
__scs_overlays_trampoline_lowered:
0x8: {  	[smem:$0x3FAC] =	sst s0  }
0x9: {  	[smem:$0x3FAD] =	sst s1  }
0xa: {  	[smem:$0x3FAE] =	sst s2  }
0xb: {  	[smem:$0x3FAF] =	sst s3  }
0xc: {  	[smem:$0x3FB0] =	sst s4  }
0xd: {  	[smem:$0x3FB1] =	sst s5  }
0xe: {  	[smem:$0x3FB2] =	sst s6  }
0xf: {  	[smem:$0x3FB3] =	sst s7  }
0x10: {  	[smem:$0x3FB4] =	sst s8  }
0x11: {  	[smem:$0x3FB5] =	sst s9;
	s0 =	simm.s32 @!p0 $0x0  }
0x12: {  	s1 =	sld [smem:$0x3F9B];
	s0 =	simm.s32 @p0 $0x1  }
0x13: {  	[smem:$0x3FB6] =	sst s0;
	s0 =	simm.s32 @!p1 $0x0  }
0x14: {  	s2 =	sld [smem:$0x3F9A];
	s0 =	simm.s32 @p1 $0x1  }
0x15: {  	[smem:$0x3FB7] =	sst s0;
	s0 =	simm.s32 @!p2 $0x0  }
0x16: {  	s3 =	sld [smem:$0x3FDB];
	s0 =	simm.s32 @p2 $0x1  }
0x17: {  	s4 =	simm.s32 $0x1BF5;
	[smem:$0x3FB9] =	sst s0  }
0x18: {  	s0 =	sld [smem:$0x3F9C];
	_ =	swait.ge [sflag:s4], $0x0  }
0x19: {  	s7 =	sld [smem:$0x3F9D]  }
0x1a: {  	s8 =	sadd.s32 $0xFFFFE003, lr  }
0x1b: {  	s9 =	sadd.s32 $0xFFFFFEF7, lr;
	s5 =	simm.s32 $0xFFFFFFFF;
	p2 =	slt.u32 s8, $0xFFFFF086  }
0x1c: {  	p1 =	slt.u32 s9, $0xF7A;
	s5 =	simm.s32 @!p2 $0x0  }
0x1d: {  	s5 =	simm.s32 @p1 $0x1;
	p0 =	seq.s32 s7, s2  }
0x1e: {  	s7 =	smul.u32 @!p0 $0xF7A, s2;
	p2 =	seq.s32 @!p0 s5, $0x0  }
0x1f: {  	s9 =	smul.u32 $0xF7A, s1;
	s8 =	simm.s32 @!p0 $0x1BF5;
	p2 =	por !p2, p0  }
0x20: {  	[sflag:s8] =	ssyncset.s32 @!p0 $0xFFFFF086;
	s6 =	sadd.s32 @!p0 s3, s7;
	s7 =	simm.s32 @!p0 $0x108  }
0x21: {  	s3 =	sadd.s32 s3, s9;
	s6 =	sadd.s32 @!p0 $0x88, s6;
	s7 =	simm.s32 @p2 $0x1082  }
0x22: {  	[simem:s7], [sflag:s8] =	dma.local @!p0 [hbm:s6], $0xF7A  }
0x23: {  	s9 =	sor.u32 $0xD0000000, s2;
	s6 =	simm.s32 $0x108;
	_ =	swait.ge @!p0 [sflag:s8], $0x0  }
0x24: {  	s3 =	sadd.s32 $0x88, s3;
	s6 =	simm.s32 @!p1 $0x1082;
	[sflag:s4] =	ssyncset.s32 $0xFFFFF086  }
0x25: {  	[simem:s6], [sflag:s4] =	dma.local [hbm:s3], $0xF7A  }
0x26: {  	[smem:$0x3F9D] =	sst s1;
	(tag) =	ssettag s2;
	_ =	strace s9  }
0x27: {  	s1 =	sld [smem:$0x3FAD]  }
0x28: {  	s2 =	sld [smem:$0x3FAE]  }
0x29: {  	s4 =	sld [smem:$0x3FB0]  }
0x2a: {  	p0 =	seq.s32 s5, $0x0;
	s5 =	sld [smem:$0x3FB1]  }
0x2b: {  	s6 =	sld [smem:$0x3FB2]  }
0x2c: {  	s7 =	sld [smem:$0x3FB3]  }
0x2d: {  	s3 =	simm.s32 $0x108;
	s8 =	sld [smem:$0x3FB4]  }
0x2e: {  	s3 =	simm.s32 @!p0 $0x1082;
	s9 =	sld [smem:$0x3FB5]  }
0x2f: {  	lr =	sadd.s32 s0, s3;
	s0 =	sld [smem:$0x3FAC]  }
0x30: {  	s3 =	sld [smem:$0x3FAF]  }
0x31: {  	[smem:$0x3FB8] =	sst s10  }
0x32: {  	s10 =	sld [smem:$0x3FB6];
	_ =	sdelay $0x3  }
0x33: {  	p0 =	seq.s32 s10, $0x1;
	s10 =	sld [smem:$0x3FB8];
	_ =	sdelay $0x3  }
0x34: {  	[smem:$0x3FB8] =	sst s10  }
0x35: {  	s10 =	sld [smem:$0x3FB7];
	_ =	sdelay $0x3  }
0x36: {  	p1 =	seq.s32 s10, $0x1;
	s10 =	sld [smem:$0x3FB8];
	_ =	sdelay $0x3  }
0x37: {  	[smem:$0x3FB8] =	sst s10  }
0x38: {  	s10 =	sld [smem:$0x3FB9]  }
0x39: {  	_ = 	snop;
	(pc) =	sbr.ind lr, $3  }
0x3a: {  	_ = 	snop  }
0x3b: {  	_ = 	snop  }
0x3c: {  	p2 =	seq.s32 s10, $0x1;
	s10 =	sld [smem:$0x3FB8]  }
0x3d: {  	_ =	shalt  }
0x3e: {  	_ =	shalt  }
0x3f: {  	_ =	shalt  }
0x40: {  	_ =	shalt  }
0x41: {  	_ =	shalt  }
0x42: {  	_ =	shalt  }
0x43: {  	_ =	shalt  }
0x44: {  	_ =	shalt  }
0x45: {  	_ =	shalt  }
0x46: {  	_ =	shalt  }
0x47: {  	_ =	shalt  }
0x48: {  	_ =	shalt  }
0x49: {  	_ =	shalt  }
0x4a: {  	_ =	shalt  }
0x4b: {  	_ =	shalt  }
0x4c: {  	_ =	shalt  }
0x4d: {  	_ =	shalt  }
0x4e: {  	_ =	shalt  }
0x4f: {  	_ =	shalt  }
0x50: {  	_ =	shalt  }
0x51: {  	_ =	shalt  }
0x52: {  	_ =	shalt  }
0x53: {  	_ =	shalt  }
0x54: {  	_ =	shalt  }
0x55: {  	_ =	shalt  }
0x56: {  	_ =	shalt  }
0x57: {  	_ =	shalt  }
0x58: {  	_ =	shalt  }
0x59: {  	_ =	shalt  }
0x5a: {  	_ =	shalt  }
0x5b: {  	_ =	shalt  }
0x5c: {  	_ =	shalt  }
0x5d: {  	_ =	shalt  }
0x5e: {  	_ =	shalt  }
0x5f: {  	_ =	shalt  }
0x60: {  	_ =	shalt  }
0x61: {  	_ =	shalt  }
0x62: {  	_ =	shalt  }
0x63: {  	_ =	shalt  }
0x64: {  	_ =	shalt  }
0x65: {  	_ =	shalt  }
0x66: {  	_ =	shalt  }
0x67: {  	_ =	shalt  }
0x68: {  	_ =	shalt  }
0x69: {  	_ =	shalt  }
0x6a: {  	_ =	shalt  }
0x6b: {  	_ =	shalt  }
0x6c: {  	_ =	shalt  }
0x6d: {  	_ =	shalt  }
0x6e: {  	_ =	shalt  }
0x6f: {  	_ =	shalt  }
0x70: {  	_ =	shalt  }
0x71: {  	_ =	shalt  }
0x72: {  	_ =	shalt  }
0x73: {  	_ =	shalt  }
0x74: {  	_ =	shalt  }
0x75: {  	_ =	shalt  }
0x76: {  	_ =	shalt  }
0x77: {  	_ =	shalt  }
0x78: {  	_ =	shalt  }
0x79: {  	_ =	shalt  }
0x7a: {  	_ =	shalt  }
0x7b: {  	_ =	shalt  }
0x7c: {  	_ =	shalt  }
0x7d: {  	_ =	shalt  }
0x7e: {  	_ =	shalt  }
0x7f: {  	_ =	shalt  }
0x80: {  	_ =	shalt  }
0x81: {  	_ =	shalt  }
0x82: {  	_ =	shalt  }
0x83: {  	_ =	shalt  }
0x84: {  	_ =	shalt  }
0x85: {  	_ =	shalt  }
0x86: {  	_ =	shalt  }
0x87: {  	_ =	shalt  }
.Lfunc_end0:
.L_simem_size_0:
called_computation_lowered:
.L_overlay_start_0:
0x88: {  	s2 =	sld [smem:$0x3FD9]  }
0x89: {  	s3 =	sld [smem:$0x3FFE];
	_ =	sdelay $0x1  }
0x8a: {  	s1 =	srdreg.scid  }
0x8b: {  	s0 =	sand.u32 $0x1, s1  }
0x8c: {  	s17 =	sshll.u32 s0, $0xA;
	s2 =	sadd.s32 s3, s2  }
0x8d: {  	s2 =	sadd.s32 s2, s17  }
0x8e: {  	[smem:$0x3FC4] =	sst s2  }
0x8f: {  	_ = 	snop  }
0x90: {  	s2 =	sld [smem:$0x3FC9]  }
0x91: {  	s18 =	sld [smem:$0x3FC8]  }
0x92: {  	s4 =	sld [smem:$0x3FD0];
	(tm) =	ssettm $0x1  }
0x93: {  	s5 =	sld [smem:$0x3FFB];
	_ =	sdelay $0x3  }
0x94: {  	_ =	strace s5  }
0x95: {  	s5 =	sld [smem:$0x3FFC];
	_ =	sdelay $0x3  }
0x96: {  	_ =	strace s5  }
0x97: {  	s5 =	sld [smem:$0x3FFD];
	_ =	sdelay $0x3  }
0x98: {  	_ =	strace s5  }
0x99: {  	_ =	strace $0x8FFFFFFF  }
0x9a: {  	s19 =	sld [smem:$0x3FDB];
	_ =	sdelay $0x1  }
0x9b: {  	s6 =	simm.s32 $_scs_section_size  }
0x9c: {  	s7 =	simm.s32 $_size__tile_overlayer_lowered;
	s8 =	simm.s32 $_tile_overlayer_lowered  }
0x9d: {  	s22 =	simm.s32 $0x1BFF;
	s21 =	sshll.u32 s8, $0x1;
	s5 =	sadd.s32 s6, s19  }
0x9e: {  	s9 =	simm.s32 $0x0;
	s20 =	sshll.u32 s7, $0x1;
	s7 =	sadd.s32 s21, s5  }
0x9f: {  	[timem:s9], [sflag:s22] =	dma.local [hbm:s7], s20  }
0xa0: {  	_ =	swait.ge [sflag:s22], s20  }
0xa1: {  	s6 =	ssub.s32 $0x0, s20;
	[sflag:s22] =	ssyncset.done $0x0  }
0xa2: {  	[sflag:s22] =	ssyncadd.s32 s6;
	_ =	sdelay $0x1  }
0xa3: {  	s23 =	simm.s32 $0x1B8B  }
0xa4: {  	_ =	swait.ge [sflag:s23], $0x1  }
0xa5: {  	[sflag:s23] =	ssyncset.done $0x0  }
0xa6: {  	s25 =	simm.s32 $0x1B8E;
	s24 =	sld [smem:$0x3FFE];
	[sflag:s23] =	ssyncadd.s32 $0xFFFFFFFF  }
0xa7: {  	s26 =	simm.s32 $execute0_lowered;
	[smem:$0x3FD2] =	sst s25  }
0xa8: {  	s7 =	sshll.u32 s26, $0x1;
	_ =	strace $0x80000046;
	[dreg:$0x1] =	wrdreg $0xFFFFFFFF  }
0xa9: {  	s28 =	simm.s32 $_size_execute0_lowered;
	s5 =	sadd.s32 s5, s7;
	[dreg:$0x0] =	wrdreg $0x0  }
0xaa: {  	s7 =	sshll.u32 s28, $0x1;
	[dreg:$0x2] =	wrdreg s5  }
0xab: {  	[dreg:$0x3] =	wrdreg s7  }
0xac: {  	[dreg:$0x4] =	wrdreg $0xC0  }
0xad: {  	_ =	task [dreg:s9], $0x5FFFF  }
0xae: {  	[dreg:$0x1] =	wrdreg $0xFFFFFFFF  }
0xaf: {  	[dreg:$0x0] =	wrdreg $0x60  }
0xb0: {  	[dreg:$0x2] =	wrdreg s18  }
0xb1: {  	[dreg:$0x3] =	wrdreg s2  }
0xb2: {  	[dreg:$0x4] =	wrdreg s4  }
0xb3: {  	[dreg:$0x5] =	wrdreg s24  }
0xb4: {  	[dreg:$0x6] =	wrdreg $0x9  }
0xb5: {  	_ =	task.clear_ibuf [dreg:s9], $0x7FFFF;
	_ =	strace $0x90000046  }
0xb6: {  	s29 =	simm.s32 $0x9;
	_ =	strace $0x80000048  }
0xb7: {  	_ =	swait.ge [sflag:s29], $0x1  }
0xb8: {  	[sflag:s29] =	ssyncadd.s32 $0xFFFFFFFF  }
0xb9: {  	_ =	strace $0x90000048  }
0xba: {  	_ =	sfence  }
0xbb: {  	s30 =	sld [smem:$0x0];
	_ =	sdelay $0x2  }
0xbc: {  	s31 =	sshll.u32 s1, $0xD;
	s1 =	sshrl.u32 s1, $0x2  }
0xbd: {  	s3 =	sand.u32 $0x4000, s31;
	s1 =	sadd.s32 s1, s30  }
0xbe: {  	s0 =	sor.u32 s3, s0;
	s1 =	sshll.u32 s1, $0x11  }
0xbf: {  	s0 =	sor.u32 s1, s0  }
0xc0: {  	s0 =	sadd.s32 $0x8F2B, s0  }
0xc1: {  	[sflag:s0] =	ssyncadd.remote.s32 $0x1  }
0xc2: {  	_ =	sfence.sel $0xFFFF  }
0xc3: {  	[dreg:$0x0] =	wrdreg $0xFFFFFFFF;
	(pc) =	sbr.abs _section_cstart, $3  }
0xc4: {  	[dreg:$0x1] =	wrdreg $0xFFFFFFFF  }
0xc5: {  	_ =	task.clear_ibuf [dreg:s9], $0x2FFFF;
	_ =	strace $0x9FFFFFFF  }
0xc6: {  	(tm) =	ssettm $0x7FFFFFFF  }
0xc7: {  	_ =	shalt  }
tec
execute0_lowered:
.L_overlay_start_1:
0x0: {  	(tag) =	ssettag $0x1  }
0x1: {  	s1 =	rddreg [dreg:$0x0]  }
0x2: {  	s4 =	rddreg [dreg:$0x1]  }
0x3: {  	s5 =	rddreg [dreg:$0x2];
	s2 =	srdreg.scid  }
0x4: {  	s0 =	stileid.u32;
	s6 =	rddreg [dreg:$0x3];
	s3 =	simm.s32 $0x0  }
0x5: {  	s13 =	simm.s32 $0x80;
	s14 =	simm.s32 $0x200;
	s15 =	simm.s32 $0x4200  }
0x6: {  	s16 =	simm.s32 $0x100;
	s17 =	simm.s32 $0x8200;
	s18 =	simm.s32 $0x180  }
0x7: {  	s19 =	simm.s32 $0xC200;
	s20 =	simm.s32 $0x1;
	s21 =	simm.s32 $0x10200  }
0x8: {  	s22 =	simm.s32 $0x10280;
	s23 =	simm.s32 $0x2;
	s24 =	simm.s32 $0x0  }
0x9: {  	s7 =	sand.u32 $0x1, s2;
	s8 =	sshll.u32 s0, $0x1;
	s2 =	rddreg [dreg:$0x4]  }
0xa: {  	[smem:$0x7FF] =	sst s3;
	s11 =	sshll.u32 s0, $0x7;
	s8 =	sor.u32 s7, s8  }
0xb: {  	_ =	strace $0x80000047;
	s30 =	ssub.s32 $0x2, s7;
	s7 =	sshll.u32 s7, $0x6  }
0xc: {  	s9 =	sshll.u32 s8, $0x4;
	s31 =	sshrl.u32 s30, $0x1;
	s8 =	sshll.u32 s8, $0xD  }
0xd: {  	s7 =	sadd.s32 s4, s7;
	s10 =	sadd.s32 s9, s6;
	s4 =	sadd.s32 s5, s8  }
0xe: {  	s12 =	ssub.s32 s30, s31;
	s5 =	sadd.s32 s11, s7;
	s6 =	sadd.s32 $0x800, s4  }
0xf: {  	s7 =	sadd.s32 $0x1000, s4;
	s8 =	sadd.s32 $0x1800, s4;
	s9 =	sadd.s32 $0x1000, s10  }
0x10: {  	s10 =	sadd.s32 $0x1200, s10;
	s11 =	smax.u32 s12, $0x1;
	s12 =	simm.s32 $0x3  }
.LBB2_1:
0x11: {  	[tilespmem:s3], [sflag:$0x3] =	stream.linear.gather [hbm4b:s5+s3], $0x200, $0x38;
	[tilespmem:$0x10300] =	vst v63  }
0x12: {  	_ =	swait.ge [sflag:s12], $0x200  }
0x13: {  	[sflag:s12] =	ssyncset.done $0x0  }
0x14: {  	[sflag:s12] =	ssyncadd.s32 $0xFFFFFE00  }
0x15: {  	[tilespmem:s14], [sflag:$0x1] =	stream.indirect.gather [hbm4b:s1+s13], $0x80, s3, s13, $0xb8;
	[tilespmem:$0x10300] =	vst v63  }
0x16: {  	_ = 	snop  }
0x17: {  	[tilespmem:s15], [sflag:$0x1] =	stream.indirect.gather [hbm4b:s1+s13], $0x80, s13, s13, $0xb8;
	[tilespmem:$0x10300] =	vst v63  }
0x18: {  	_ = 	snop  }
0x19: {  	[tilespmem:s17], [sflag:$0x1] =	stream.indirect.gather [hbm4b:s1+s13], $0x80, s16, s13, $0xb8;
	[tilespmem:$0x10300] =	vst v63  }
0x1a: {  	_ = 	snop  }
0x1b: {  	[tilespmem:s19], [sflag:$0x1] =	stream.indirect.gather [hbm4b:s1+s13], $0x80, s18, s13, $0xb8;
	[tilespmem:$0x10300] =	vst v63  }
0x1c: {  	_ =	swait.ge [sflag:s20], $0x4000  }
0x1d: {  	[sflag:s20] =	ssyncset.done $0x0  }
0x1e: {  	s28 =	simm.s32 $0x0;
	[sflag:s20] =	ssyncadd.s32 $0xFFFFC000  }
0x1f: {  	v0 =	vld [tilespmem:s28+$0x270]  }
0x20: {  	v1 =	vld [tilespmem:s28+$0x200]  }
0x21: {  	v5 =	vimm.f32 $0.0e+00;
	v4 =	vld [tilespmem:s28+$0x210]  }
0x22: {  	v13 =	vimm.f32 $0.0e+00;
	v14 =	vimm.f32 $0.0e+00;
	v15 =	vimm.f32 $0.0e+00  }
0x23: {  	v11 =	vimm.f32 $0.0e+00;
	v10 =	vimm.f32 $0.0e+00;
	v8 =	vimm.f32 $0.0e+00;
	v16 =	vld [tilespmem:s28+$0x220]  }
0x24: {  	v9 =	vimm.f32 $0.0e+00;
	v7 =	vimm.f32 $0.0e+00;
	v12 =	vimm.f32 $0.0e+00;
	v17 =	vld [tilespmem:s28+$0x230]  }
0x25: {  	v18 =	vld [tilespmem:s28+$0x240];
	v3 =	vadd.f32 v0, v5;
	v6 =	vmul.f32 v0, v0;
	v2 =	vadd.f32 v1, v5  }
0x26: {  	v20 =	vld [tilespmem:s28+$0x250];
	v22 =	vmul.f32 v1, v1;
	v0 =	vadd.f32 v4, v5;
	v21 =	vmul.f32 v4, v4  }
0x27: {  	s25 =	simm.s32 $0x80;
	s26 =	simm.s32 $0x400;
	v19 =	vld [tilespmem:s28+$0x260];
	v4 =	vimm.f32 $0.0e+00;
	v1 =	vadd.f32 v6, v5;
	v6 =	vimm.f32 $0.0e+00  }
.LBB2_2:
0x28: {  	p0 =	sne.s32 s26, $0xFE00;
	v23 =	vld [tilespmem:s25+$0x270];
	v5 =	vadd.f32 v22, v5;
	v13 =	vadd.f32 v16, v13;
	v16 =	vmul.f32 v16, v16  }
0x29: {  	v22 =	vld [tilespmem:s25+$0x200];
	v14 =	vadd.f32 v21, v14;
	v15 =	vadd.f32 v17, v15;
	v17 =	vmul.f32 v17, v17  }
0x2a: {  	v21 =	vld [tilespmem:s25+$0x210];
	v11 =	vadd.f32 v16, v11;
	v10 =	vadd.f32 v18, v10;
	v18 =	vmul.f32 v18, v18  }
.Ltmp0:
0x2b: {  	v16 =	vld [tilespmem:s25+$0x220];
	v8 =	vadd.f32 v17, v8;
	v9 =	vadd.f32 v20, v9;
	v20 =	vmul.f32 v20, v20;
	(pc) =	sbr.rel @p0 .LBB2_2-.Ltmp0, $4  }
0x2c: {  	v17 =	vld [tilespmem:s25+$0x230];
	v6 =	vadd.f32 v18, v6;
	v7 =	vadd.f32 v19, v7;
	v19 =	vmul.f32 v19, v19  }
0x2d: {  	v18 =	vld [tilespmem:s25+$0x240];
	v3 =	vadd.f32 v23, v3;
	v23 =	vmul.f32 v23, v23;
	v12 =	vadd.f32 v20, v12  }
0x2e: {  	v2 =	vadd.f32 v22, v2;
	v22 =	vmul.f32 v22, v22;
	v20 =	vld [tilespmem:s25+$0x250];
	v4 =	vadd.f32 v19, v4  }
0x2f: {  	v0 =	vadd.f32 v21, v0;
	v21 =	vmul.f32 v21, v21;
	v19 =	vld [tilespmem:s25+$0x260];
	s25 =	sshra.s32 s26, $0x2;
	s26 =	sadd.s32 $0x200, s26;
	v1 =	vadd.f32 v23, v1  }
0x30: {  	v23 =	vld [tilespmem:s25+$0x270]  }
0x31: {  	v24 =	vld [tilespmem:s25+$0x200]  }
0x32: {  	v5 =	vadd.f32 v22, v5;
	v22 =	vmul.f32 v16, v16;
	v25 =	vld [tilespmem:s25+$0x210]  }
0x33: {  	v13 =	vadd.f32 v16, v13;
	v16 =	vld [tilespmem:s25+$0x220];
	v15 =	vadd.f32 v17, v15;
	v17 =	vmul.f32 v17, v17  }
0x34: {  	v26 =	vld [tilespmem:s25+$0x240];
	v11 =	vadd.f32 v22, v11;
	v22 =	vadd.f32 v18, v10;
	v10 =	vmul.f32 v18, v18  }
0x35: {  	v14 =	vadd.f32 v21, v14;
	v21 =	vld [tilespmem:s25+$0x230];
	v18 =	vmul.f32 v20, v20;
	v17 =	vadd.f32 v17, v8  }
0x36: {  	s31 =	simm.s32 $0x0;
	v9 =	vadd.f32 v20, v9;
	v20 =	vld [tilespmem:s25+$0x250];
	v27 =	vadd.f32 v10, v6  }
0x37: {  	v28 =	vadd.f32 v19, v7;
	v6 =	vmul.f32 v19, v19;
	v12 =	vadd.f32 v18, v12;
	v18 =	vld [tilespmem:s25+$0x260];
	[hbm4b:s4+s31] =	stream.linear.scatter [tilespmem:s14], [sflag:$0x2], $0x4000, $0x38  }
0x38: {  	v29 =	vadd.f32 v23, v3;
	v3 =	vmul.f32 v23, v23;
	v23 =	vadd.f32 v24, v2;
	_ =	swait.ge [sflag:s20], $0x4000  }
0x39: {  	v2 =	vmul.f32 v24, v24;
	v30 =	vadd.f32 v25, v0;
	v8 =	vadd.f32 v26, v22;
	[sflag:s20] =	ssyncset.done $0x0  }
0x3a: {  	s28 =	simm.s32 $0x0;
	v0 =	vmul.f32 v25, v25;
	v61 =	vadd.f32 v6, v4;
	v62 =	vadd.f32 v3, v1;
	[sflag:s20] =	ssyncadd.s32 $0xFFFFC000  }
0x3b: {  	v3 =	vadd.f32 v2, v5;
	v1 =	vmul.f32 v16, v16;
	v5 =	vadd.f32 v16, v13;
	v13 =	vld [tilespmem:s28+$0x4270]  }
0x3c: {  	v10 =	vadd.f32 v21, v15;
	v6 =	vadd.f32 v0, v14;
	v0 =	vmul.f32 v21, v21;
	v21 =	vld [tilespmem:s28+$0x4200]  }
0x3d: {  	v2 =	vmul.f32 v26, v26;
	v4 =	vadd.f32 v20, v9;
	v7 =	vadd.f32 v1, v11;
	v22 =	vld [tilespmem:s28+$0x4210]  }
0x3e: {  	v1 =	vadd.f32 v0, v17;
	v0 =	vmul.f32 v20, v20;
	v19 =	vld [tilespmem:s28+$0x4220];
	v9 =	vmul.f32 v18, v18  }
0x3f: {  	v11 =	vadd.f32 v2, v27;
	v17 =	vld [tilespmem:s28+$0x4230];
	v2 =	vadd.f32 v18, v28  }
0x40: {  	v16 =	vld [tilespmem:s28+$0x4240];
	v15 =	vadd.f32 v0, v12;
	v0 =	vadd.f32 v9, v61;
	v63 =	vmul.f32 v13, v13  }
0x41: {  	v20 =	vld [tilespmem:s28+$0x4250];
	v14 =	vadd.f32 v13, v29;
	v9 =	vadd.f32 v21, v23;
	v21 =	vmul.f32 v21, v21  }
0x42: {  	s26 =	simm.s32 $0x400;
	s25 =	simm.s32 $0x80;
	v18 =	vld [tilespmem:s28+$0x4260];
	v12 =	vadd.f32 v22, v30;
	v22 =	vmul.f32 v22, v22;
	v13 =	vadd.f32 v63, v62  }
.LBB2_4:
0x43: {  	p0 =	sne.s32 s26, $0xFE00;
	v23 =	vld [tilespmem:s25+$0x4270];
	v3 =	vadd.f32 v21, v3;
	v5 =	vadd.f32 v19, v5;
	v19 =	vmul.f32 v19, v19  }
0x44: {  	v21 =	vld [tilespmem:s25+$0x4200];
	v6 =	vadd.f32 v22, v6;
	v10 =	vadd.f32 v17, v10;
	v17 =	vmul.f32 v17, v17  }
0x45: {  	v22 =	vld [tilespmem:s25+$0x4210];
	v7 =	vadd.f32 v19, v7;
	v8 =	vadd.f32 v16, v8;
	v16 =	vmul.f32 v16, v16  }
.Ltmp1:
0x46: {  	v19 =	vld [tilespmem:s25+$0x4220];
	v1 =	vadd.f32 v17, v1;
	v4 =	vadd.f32 v20, v4;
	v20 =	vmul.f32 v20, v20;
	(pc) =	sbr.rel @p0 .LBB2_4-.Ltmp1, $4  }
0x47: {  	v17 =	vld [tilespmem:s25+$0x4230];
	v11 =	vadd.f32 v16, v11;
	v2 =	vadd.f32 v18, v2;
	v18 =	vmul.f32 v18, v18  }
0x48: {  	v16 =	vld [tilespmem:s25+$0x4240];
	v14 =	vadd.f32 v23, v14;
	v23 =	vmul.f32 v23, v23;
	v15 =	vadd.f32 v20, v15  }
0x49: {  	v9 =	vadd.f32 v21, v9;
	v21 =	vmul.f32 v21, v21;
	v20 =	vld [tilespmem:s25+$0x4250];
	v0 =	vadd.f32 v18, v0  }
0x4a: {  	v12 =	vadd.f32 v22, v12;
	v22 =	vmul.f32 v22, v22;
	v18 =	vld [tilespmem:s25+$0x4260];
	s25 =	sshra.s32 s26, $0x2;
	s26 =	sadd.s32 $0x200, s26;
	v13 =	vadd.f32 v23, v13  }
0x4b: {  	v23 =	vld [tilespmem:s25+$0x4270]  }
0x4c: {  	v24 =	vld [tilespmem:s25+$0x4200]  }
0x4d: {  	v3 =	vadd.f32 v21, v3;
	v21 =	vmul.f32 v19, v19;
	v25 =	vld [tilespmem:s25+$0x4210];
	v5 =	vadd.f32 v19, v5  }
0x4e: {  	v19 =	vld [tilespmem:s25+$0x4220];
	v6 =	vadd.f32 v22, v6;
	v10 =	vadd.f32 v17, v10;
	v17 =	vmul.f32 v17, v17  }
0x4f: {  	v26 =	vld [tilespmem:s25+$0x4240];
	v7 =	vadd.f32 v21, v7;
	v8 =	vadd.f32 v16, v8;
	v16 =	vmul.f32 v16, v16  }
0x50: {  	v21 =	vld [tilespmem:s25+$0x4230];
	v22 =	vmul.f32 v20, v20;
	v1 =	vadd.f32 v17, v1;
	v4 =	vadd.f32 v20, v4  }
0x51: {  	s31 =	simm.s32 $0x0;
	v17 =	vld [tilespmem:s25+$0x4250];
	v11 =	vadd.f32 v16, v11;
	v2 =	vadd.f32 v18, v2  }
0x52: {  	v16 =	vld [tilespmem:s25+$0x4260];
	v18 =	vmul.f32 v18, v18;
	[hbm4b:s6+s31] =	stream.linear.scatter [tilespmem:s15], [sflag:$0x2], $0x4000, $0x38;
	v15 =	vadd.f32 v22, v15;
	v14 =	vadd.f32 v23, v14  }
0x53: {  	v20 =	vmul.f32 v23, v23;
	v9 =	vadd.f32 v24, v9;
	v22 =	vmul.f32 v24, v24;
	_ =	swait.ge [sflag:s20], $0x4000  }
0x54: {  	v12 =	vadd.f32 v25, v12;
	v0 =	vadd.f32 v18, v0;
	v18 =	vmul.f32 v25, v25;
	[sflag:s20] =	ssyncset.done $0x0  }
0x55: {  	s28 =	simm.s32 $0x0;
	v5 =	vadd.f32 v19, v5;
	v13 =	vadd.f32 v20, v13;
	v20 =	vmul.f32 v19, v19;
	[sflag:s20] =	ssyncadd.s32 $0xFFFFC000  }
0x56: {  	v3 =	vadd.f32 v22, v3;
	v6 =	vadd.f32 v18, v6;
	v18 =	vmul.f32 v21, v21;
	v22 =	vld [tilespmem:s28+$0x8270]  }
0x57: {  	v8 =	vadd.f32 v26, v8;
	v7 =	vadd.f32 v20, v7;
	v20 =	vld [tilespmem:s28+$0x8200]  }
0x58: {  	v10 =	vadd.f32 v21, v10;
	v21 =	vmul.f32 v26, v26;
	v1 =	vadd.f32 v18, v1;
	v18 =	vld [tilespmem:s28+$0x8210]  }
0x59: {  	v4 =	vadd.f32 v17, v4;
	v23 =	vmul.f32 v17, v17;
	v19 =	vld [tilespmem:s28+$0x8220];
	v63 =	vmul.f32 v16, v16  }
0x5a: {  	v17 =	vld [tilespmem:s28+$0x8230];
	v2 =	vadd.f32 v16, v2;
	v11 =	vadd.f32 v21, v11  }
0x5b: {  	v16 =	vld [tilespmem:s28+$0x8240];
	v15 =	vadd.f32 v23, v15;
	v0 =	vadd.f32 v63, v0;
	v23 =	vmul.f32 v22, v22  }
0x5c: {  	v14 =	vadd.f32 v22, v14;
	v9 =	vadd.f32 v20, v9;
	v21 =	vmul.f32 v20, v20;
	v20 =	vld [tilespmem:s28+$0x8250]  }
0x5d: {  	s26 =	simm.s32 $0x400;
	s25 =	simm.s32 $0x80;
	v12 =	vadd.f32 v18, v12;
	v22 =	vmul.f32 v18, v18;
	v18 =	vld [tilespmem:s28+$0x8260];
	v13 =	vadd.f32 v23, v13  }
.LBB2_6:
0x5e: {  	p0 =	sne.s32 s26, $0xFE00;
	v23 =	vld [tilespmem:s25+$0x8270];
	v3 =	vadd.f32 v21, v3;
	v5 =	vadd.f32 v19, v5;
	v19 =	vmul.f32 v19, v19  }
0x5f: {  	v21 =	vld [tilespmem:s25+$0x8200];
	v6 =	vadd.f32 v22, v6;
	v10 =	vadd.f32 v17, v10;
	v17 =	vmul.f32 v17, v17  }
0x60: {  	v22 =	vld [tilespmem:s25+$0x8210];
	v7 =	vadd.f32 v19, v7;
	v8 =	vadd.f32 v16, v8;
	v16 =	vmul.f32 v16, v16  }
.Ltmp2:
0x61: {  	v19 =	vld [tilespmem:s25+$0x8220];
	v1 =	vadd.f32 v17, v1;
	v4 =	vadd.f32 v20, v4;
	v20 =	vmul.f32 v20, v20;
	(pc) =	sbr.rel @p0 .LBB2_6-.Ltmp2, $4  }
0x62: {  	v17 =	vld [tilespmem:s25+$0x8230];
	v11 =	vadd.f32 v16, v11;
	v2 =	vadd.f32 v18, v2;
	v18 =	vmul.f32 v18, v18  }
0x63: {  	v16 =	vld [tilespmem:s25+$0x8240];
	v14 =	vadd.f32 v23, v14;
	v23 =	vmul.f32 v23, v23;
	v15 =	vadd.f32 v20, v15  }
0x64: {  	v9 =	vadd.f32 v21, v9;
	v21 =	vmul.f32 v21, v21;
	v20 =	vld [tilespmem:s25+$0x8250];
	v0 =	vadd.f32 v18, v0  }
0x65: {  	v12 =	vadd.f32 v22, v12;
	v22 =	vmul.f32 v22, v22;
	v18 =	vld [tilespmem:s25+$0x8260];
	s25 =	sshra.s32 s26, $0x2;
	s26 =	sadd.s32 $0x200, s26;
	v13 =	vadd.f32 v23, v13  }
0x66: {  	v23 =	vld [tilespmem:s25+$0x8270]  }
0x67: {  	v24 =	vld [tilespmem:s25+$0x8200]  }
0x68: {  	v3 =	vadd.f32 v21, v3;
	v21 =	vmul.f32 v19, v19;
	v25 =	vld [tilespmem:s25+$0x8210];
	v5 =	vadd.f32 v19, v5  }
0x69: {  	v19 =	vld [tilespmem:s25+$0x8220];
	v6 =	vadd.f32 v22, v6;
	v22 =	vadd.f32 v17, v10;
	v10 =	vmul.f32 v17, v17  }
0x6a: {  	v26 =	vld [tilespmem:s25+$0x8240];
	v7 =	vadd.f32 v21, v7;
	v21 =	vadd.f32 v16, v8;
	v8 =	vmul.f32 v16, v16  }
0x6b: {  	v17 =	vld [tilespmem:s25+$0x8230];
	v16 =	vmul.f32 v20, v20;
	v1 =	vadd.f32 v10, v1;
	v4 =	vadd.f32 v20, v4  }
0x6c: {  	s31 =	simm.s32 $0x0;
	v20 =	vld [tilespmem:s25+$0x8250];
	v27 =	vadd.f32 v8, v11;
	v2 =	vadd.f32 v18, v2  }
0x6d: {  	v8 =	vmul.f32 v18, v18;
	v15 =	vadd.f32 v16, v15;
	v16 =	vld [tilespmem:s25+$0x8260];
	v14 =	vadd.f32 v23, v14;
	[hbm4b:s7+s31] =	stream.linear.scatter [tilespmem:s17], [sflag:$0x2], $0x4000, $0x38  }
0x6e: {  	v10 =	vmul.f32 v23, v23;
	v18 =	vadd.f32 v24, v9;
	v9 =	vmul.f32 v24, v24;
	_ =	swait.ge [sflag:s20], $0x4000  }
0x6f: {  	v23 =	vadd.f32 v25, v12;
	v0 =	vadd.f32 v8, v0;
	v8 =	vmul.f32 v25, v25;
	[sflag:s20] =	ssyncset.done $0x0  }
0x70: {  	s28 =	simm.s32 $0x0;
	v62 =	vadd.f32 v10, v13;
	v12 =	vadd.f32 v9, v3;
	v3 =	vmul.f32 v19, v19;
	[sflag:s20] =	ssyncadd.s32 $0xFFFFC000  }
0x71: {  	v13 =	vadd.f32 v19, v5;
	v10 =	vadd.f32 v8, v6;
	v19 =	vld [tilespmem:s28+$0xC270]  }
0x72: {  	v5 =	vmul.f32 v17, v17;
	v8 =	vadd.f32 v17, v22;
	v11 =	vadd.f32 v3, v7;
	v3 =	vld [tilespmem:s28+$0xC200]  }
0x73: {  	v6 =	vadd.f32 v26, v21;
	v4 =	vadd.f32 v20, v4;
	v7 =	vmul.f32 v26, v26;
	v21 =	vld [tilespmem:s28+$0xC210]  }
0x74: {  	v9 =	vadd.f32 v5, v1;
	v5 =	vmul.f32 v20, v20;
	v20 =	vld [tilespmem:s28+$0xC220];
	v22 =	vmul.f32 v16, v16  }
0x75: {  	v17 =	vld [tilespmem:s28+$0xC230];
	v1 =	vadd.f32 v16, v2;
	v7 =	vadd.f32 v7, v27  }
0x76: {  	v16 =	vld [tilespmem:s28+$0xC240];
	v5 =	vadd.f32 v5, v15;
	v2 =	vadd.f32 v22, v0;
	v63 =	vmul.f32 v19, v19  }
0x77: {  	v15 =	vld [tilespmem:s28+$0xC250];
	v0 =	vadd.f32 v19, v14;
	v19 =	vadd.f32 v3, v18;
	v22 =	vmul.f32 v3, v3  }
0x78: {  	s26 =	simm.s32 $0x400;
	s25 =	simm.s32 $0x80;
	v18 =	vadd.f32 v21, v23;
	v21 =	vmul.f32 v21, v21;
	v14 =	vld [tilespmem:s28+$0xC260];
	v3 =	vadd.f32 v63, v62  }
.LBB2_8:
0x79: {  	p0 =	sne.s32 s26, $0xFE00;
	v23 =	vld [tilespmem:s25+$0xC270];
	v12 =	vadd.f32 v22, v12;
	v13 =	vadd.f32 v20, v13;
	v20 =	vmul.f32 v20, v20  }
0x7a: {  	v22 =	vld [tilespmem:s25+$0xC200];
	v10 =	vadd.f32 v21, v10;
	v8 =	vadd.f32 v17, v8;
	v17 =	vmul.f32 v17, v17  }
0x7b: {  	v21 =	vld [tilespmem:s25+$0xC210];
	v11 =	vadd.f32 v20, v11;
	v6 =	vadd.f32 v16, v6;
	v16 =	vmul.f32 v16, v16  }
.Ltmp3:
0x7c: {  	v20 =	vld [tilespmem:s25+$0xC220];
	v9 =	vadd.f32 v17, v9;
	v4 =	vadd.f32 v15, v4;
	v15 =	vmul.f32 v15, v15;
	(pc) =	sbr.rel @p0 .LBB2_8-.Ltmp3, $4  }
0x7d: {  	v17 =	vld [tilespmem:s25+$0xC230];
	v7 =	vadd.f32 v16, v7;
	v1 =	vadd.f32 v14, v1;
	v14 =	vmul.f32 v14, v14  }
0x7e: {  	v16 =	vld [tilespmem:s25+$0xC240];
	v0 =	vadd.f32 v23, v0;
	v23 =	vmul.f32 v23, v23;
	v5 =	vadd.f32 v15, v5  }
0x7f: {  	v19 =	vadd.f32 v22, v19;
	v22 =	vmul.f32 v22, v22;
	v15 =	vld [tilespmem:s25+$0xC250];
	v2 =	vadd.f32 v14, v2  }
0x80: {  	v18 =	vadd.f32 v21, v18;
	v21 =	vmul.f32 v21, v21;
	v14 =	vld [tilespmem:s25+$0xC260];
	s25 =	sshra.s32 s26, $0x2;
	s26 =	sadd.s32 $0x200, s26;
	v3 =	vadd.f32 v23, v3  }
0x81: {  	v23 =	vld [tilespmem:s25+$0xC270]  }
0x82: {  	v24 =	vld [tilespmem:s25+$0xC200]  }
0x83: {  	v25 =	vld [tilespmem:s25+$0xC210]  }
0x84: {  	v26 =	vld [tilespmem:s25+$0xC220]  }
0x85: {  	v27 =	vld [tilespmem:s25+$0xC230]  }
0x86: {  	v28 =	vld [tilespmem:s25+$0xC240];
	v12 =	vadd.f32 v22, v12;
	v13 =	vadd.f32 v20, v13  }
0x87: {  	v29 =	vld [tilespmem:s25+$0xC250];
	v10 =	vadd.f32 v21, v10;
	v19 =	vadd.f32 v24, v19  }
0x88: {  	v51 =	vld [tilespmem:s25+$0xC260];
	[hbm4b:s8+s3] =	stream.linear.scatter [tilespmem:s19], [sflag:$0x2], $0x4000, $0x38;
	v8 =	vadd.f32 v17, v8;
	v18 =	vadd.f32 v25, v18  }
0x89: {  	v50 =	vmul.f32 v20, v20;
	v6 =	vadd.f32 v16, v6;
	v13 =	vadd.f32 v26, v13;
	[tilespmem:$0x10200] =	vst v19  }
0x8a: {  	v4 =	vadd.f32 v15, v4;
	v8 =	vadd.f32 v27, v8;
	[tilespmem:$0x10210] =	vst v18  }
0x8b: {  	v11 =	vadd.f32 v50, v11;
	v6 =	vadd.f32 v28, v6;
	[tilespmem:$0x10220] =	vst v13  }
0x8c: {  	v53 =	vmul.f32 v17, v17;
	v1 =	vadd.f32 v14, v1;
	v4 =	vadd.f32 v29, v4;
	[tilespmem:$0x10230] =	vst v8  }
0x8d: {  	v55 =	vmul.f32 v16, v16;
	v49 =	vmul.f32 v24, v24;
	v0 =	vadd.f32 v23, v0;
	[tilespmem:$0x10240] =	vst v6  }
0x8e: {  	v9 =	vadd.f32 v53, v9;
	v52 =	vmul.f32 v25, v25;
	v1 =	vadd.f32 v51, v1;
	[tilespmem:$0x10250] =	vst v4  }
0x8f: {  	v57 =	vmul.f32 v15, v15;
	v54 =	vmul.f32 v26, v26;
	v12 =	vadd.f32 v49, v12;
	[tilespmem:$0x10270] =	vst v0  }
0x90: {  	v7 =	vadd.f32 v55, v7;
	v56 =	vmul.f32 v27, v27;
	v10 =	vadd.f32 v52, v10;
	[tilespmem:$0x10260] =	vst v1  }
0x91: {  	v59 =	vmul.f32 v14, v14;
	v58 =	vmul.f32 v28, v28;
	v11 =	vadd.f32 v54, v11;
	[tilespmem:$0x10280] =	vst v12  }
0x92: {  	v5 =	vadd.f32 v57, v5;
	v60 =	vmul.f32 v29, v29;
	v9 =	vadd.f32 v56, v9;
	[tilespmem:$0x10290] =	vst v10  }
0x93: {  	v62 =	vmul.f32 v23, v23;
	v7 =	vadd.f32 v58, v7;
	[tilespmem:$0x102A0] =	vst v11  }
0x94: {  	v61 =	vmul.f32 v51, v51;
	v2 =	vadd.f32 v59, v2;
	v5 =	vadd.f32 v60, v5;
	[tilespmem:$0x102B0] =	vst v9  }
0x95: {  	v63 =	vadd.f32 v62, v3;
	[tilespmem:$0x102C0] =	vst v7  }
0x96: {  	v2 =	vadd.f32 v61, v2;
	[tilespmem:$0x102D0] =	vst v5  }
0x97: {  	[tilespmem:$0x102F0] =	vst v63  }
0x98: {  	[tilespmem:$0x102E0] =	vst v2  }
0x99: {  	[hbm4b:s9+s3] =	stream.linear.scatter [tilespmem:s21], [sflag:$0x3], $0x80, $0x38;
	[tilespmem:$0x10300] =	vst v63  }
0x9a: {  	_ =	swait.ge [sflag:s12], $0x80  }
0x9b: {  	[sflag:s12] =	ssyncset.done $0x0  }
0x9c: {  	[sflag:s12] =	ssyncadd.s32 $0xFFFFFF80  }
0x9d: {  	[hbm4b:s10+s3] =	stream.linear.scatter [tilespmem:s22], [sflag:$0x3], $0x80, $0x38;
	[tilespmem:$0x10300] =	vst v63  }
0x9e: {  	_ =	swait.ge [sflag:s12], $0x80  }
0x9f: {  	[sflag:s12] =	ssyncset.done $0x0  }
0xa0: {  	[sflag:s12] =	ssyncadd.s32 $0xFFFFFF80  }
0xa1: {  	_ =	swait.ge [sflag:s23], $0x4000  }
0xa2: {  	[sflag:s23] =	ssyncset.done $0x0  }
0xa3: {  	[sflag:s23] =	ssyncadd.s32 $0xFFFFC000  }
0xa4: {  	_ =	swait.ge [sflag:s23], $0x4000  }
0xa5: {  	[sflag:s23] =	ssyncset.done $0x0  }
0xa6: {  	s24 =	sadd.s32 $0x1, s24;
	[sflag:s23] =	ssyncadd.s32 $0xFFFFC000  }
0xa7: {  	p0 =	sne.s32 s24, s11;
	_ =	swait.ge [sflag:s23], $0x4000  }
.Ltmp4:
0xa8: {  	[sflag:s23] =	ssyncset.done $0x0;
	(pc) =	sbr.rel @p0 .LBB2_1-.Ltmp4, $4  }
0xa9: {  	[sflag:s23] =	ssyncadd.s32 $0xFFFFC000  }
0xaa: {  	_ =	swait.ge [sflag:s23], $0x4000  }
0xab: {  	[sflag:s23] =	ssyncset.done $0x0  }
0xac: {  	[sflag:s23] =	ssyncadd.s32 $0xFFFFC000  }
0xad: {  	_ =	sfence.sel $0x180000  }
0xae: {  	[bflag:$0x0] =	sbarrier.arrive $0xFFFF  }
0xaf: {  	p0 =	sne.s32 s0, $0x0;
	_ =	strace $0x90000047  }
0xb0: {  	s0 =	sadd.s32 @!p0 $0x100000, s2;
	[bflag:$0x2] =	sbarrier.arrive $0xFFFF  }
0xb1: {  	[sflag:s0] =	ssyncadd.tile.s32 @!p0 $0x1;
	_ =	shalt  }
.Lfunc_end2:
_tile_overlayer_lowered:
.L_overlay_start_2:
0xb2: {  	(tag) =	ssettag $0x2  }
0xb3: {  	s0 =	rddreg [dreg:$0x0];
	s2 =	stileid.u32  }
0xb4: {  	s1 =	rddreg [dreg:$0x1];
	p0 =	sne.s32 s2, $0x0  }
0xb5: {  	s3 =	rddreg [dreg:$0x2];
	[bflag:$0x3] =	sbarrier.arrive $0xFFFF;
	s2 =	simm.s32 @!p0 $0x1C03  }
0xb6: {  	[timem:s3], [sflag:s2] =	dma.local @!p0 [hbm:s0], s1  }
0xb7: {  	s0 =	simm.s32 @!p0 $0x3  }
0xb8: {  	_ =	swait.ge @!p0 [sflag:s0], s1  }
0xb9: {  	s1 =	ssub.s32 @!p0 $0x0, s1;
	[sflag:s0] =	ssyncset.done @!p0 $0x0  }
0xba: {  	[sflag:s0] =	ssyncadd.s32 @!p0 s1  }
0xbb: {  	[bflag:$0x3] =	sbarrier.arrive $0xFFFF  }
0xbc: {  	_ =	shalt  }

</sc_bundles>
